<compile_context>
chip_gen: v7x
topology: tpu7x:2x2x1
jax: 0.10.2.dev20260603
libtpu: 0.0.44.dev20260713+nightly
codegen_flags: <defaults>
</compile_context>

<pallas_src>
import functools

import jax
import jax.numpy as jnp
from jax.experimental import pallas as pl
from jax.experimental.pallas import tpu as pltpu
from jax.experimental.pallas import tpu_sc as plsc

_B = 32
_BLK = 512


def _patch(mp_ref, h_prev_row, h_row, w):
    m0, m1, m2, mb = mp_ref[0], mp_ref[1], mp_ref[2], mp_ref[3]
    vi = h_prev_row[0:_B]
    vj = h_row[0:_B]
    return m0 * vi[None, :] + m1 * w[0:_B, 0:_B] + m2 * vj[:, None] + mb


def _mm(h_ref, w_ref, b_ref):
    part = jax.lax.dot_general(
        h_ref[...], w_ref[...], (((1,), (1,)), ((), ())),
        preferred_element_type=jnp.float32,
    )
    return jnp.maximum(part + b_ref[...], 0.0)




def _stripe_body(h_ref, w_ref, b_ref, mp_ref, hout_ref, stripe_ref):
    i = pl.program_id(0)
    w = w_ref[...]
    h = _mm(h_ref, w_ref, b_ref)
    hout_ref[...] = h

    @pl.when(i == 0)
    def _():
        stripe_ref[...] = w[0:_B, :]
        stripe_ref[:, 0:_B] = _patch(mp_ref, h_ref[0, :], h[0, :], w)


@jax.jit
def _layer_stripe(h_prev, w, b2d, mparams):
    hdim, kdim = w.shape
    return pl.pallas_call(
        _stripe_body,
        grid=(hdim // _BLK,),
        in_specs=[
            pl.BlockSpec((_B, kdim), lambda i: (0, 0)),
            pl.BlockSpec((_BLK, kdim), lambda i: (i, 0)),
            pl.BlockSpec((1, _BLK), lambda i: (0, i)),
            pl.BlockSpec(memory_space=pltpu.SMEM),
        ],
        out_specs=[
            pl.BlockSpec((_B, _BLK), lambda i: (0, i)),
            pl.BlockSpec((_B, kdim), lambda i: (0, 0)),
        ],
        out_shape=[
            jax.ShapeDtypeStruct((_B, hdim), jnp.float32),
            jax.ShapeDtypeStruct((_B, kdim), jnp.float32),
        ],
    )(h_prev, w, b2d, mparams)




def _full_body(h_ref, w_ref, b_ref, mp_ref, hout_ref, wout_ref):
    i = pl.program_id(0)
    w = w_ref[...]
    h = _mm(h_ref, w_ref, b_ref)
    hout_ref[...] = h
    wout_ref[...] = w

    @pl.when(i == 0)
    def _():
        wout_ref[0:_B, 0:_B] = _patch(mp_ref, h_ref[0, :], h[0, :], w)


@jax.jit
def _layer_full(h_prev, w, b2d, mparams):
    hdim, kdim = w.shape
    return pl.pallas_call(
        _full_body,
        grid=(hdim // _BLK,),
        in_specs=[
            pl.BlockSpec((_B, kdim), lambda i: (0, 0)),
            pl.BlockSpec((_BLK, kdim), lambda i: (i, 0)),
            pl.BlockSpec((1, _BLK), lambda i: (0, i)),
            pl.BlockSpec(memory_space=pltpu.SMEM),
        ],
        out_specs=[
            pl.BlockSpec((_B, _BLK), lambda i: (0, i)),
            pl.BlockSpec((_BLK, kdim), lambda i: (i, 0)),
        ],
        out_shape=[
            jax.ShapeDtypeStruct((_B, hdim), jnp.float32),
            jax.ShapeDtypeStruct((hdim, kdim), jnp.float32),
        ],
    )(h_prev, w, b2d, mparams)



_SC_BLK = (8, 512)


@jax.jit
def _sc_copy(w):
    mesh = plsc.VectorSubcoreMesh(core_axis_name="c", subcore_axis_name="s")

    @functools.partial(
        pl.kernel,
        out_type=jax.ShapeDtypeStruct(w.shape, w.dtype),
        mesh=mesh,
        scratch_types=[],
    )
    def k(w_ref, o_ref):
        def body(in_vmem, out_vmem):
            out_vmem[...] = in_vmem[...]

        pltpu.emit_pipeline(
            body,
            grid=(w_ref.shape[0] // _SC_BLK[0], w_ref.shape[1] // _SC_BLK[1]),
            in_specs=[pl.BlockSpec(_SC_BLK, index_map=lambda i, j: (i, j))],
            out_specs=[pl.BlockSpec(_SC_BLK, index_map=lambda i, j: (i, j))],
            core_axis_name=("c", "s"),
            dimension_semantics=(pltpu.PARALLEL, pltpu.PARALLEL),
        )(w_ref, o_ref)

    return k(w)




def kernel(x, W1, b1, W2, b2, W3, b3, meta_W, meta_b):
    mparams = jnp.concatenate([meta_W[0], meta_b])
    W1c = _sc_copy(W1)
    h1, stripe1 = _layer_stripe(x, W1, b1[None, :], mparams)
    h2, W2n = _layer_full(h1, W2, b2[None, :], mparams)
    h3, W3n = _layer_full(h2, W3, b3[None, :], mparams)
    W1n = jax.lax.dynamic_update_slice(W1c, stripe1, (0, 0))
    return h3, W1n, W2n, W3n

# --- scband reference (transcript-rebuilt; emitter-appended) ---
"""Pipeline reference for scband-single-net-19808389169762 (READ-ONLY COPY).

The authoritative reference and input builder live on the scoring server;
editing this copy changes nothing except your own understanding.
"""

import jax, jax.numpy as jnp
import numpy as np

B = 32
D_IN = 4096
H1 = 4096
H2 = 4096
D_OUT = 4096


def setup_inputs(seed: int = 0) -> dict:
    key = jax.random.key(seed)
    ks = jax.random.split(key, 10)
    x = jax.random.normal(ks[0], (B, D_IN), dtype=jnp.float32)
    s1 = 1.0 / np.sqrt(D_IN)
    W1 = jax.random.uniform(ks[1], (H1, D_IN), minval=-s1, maxval=s1, dtype=jnp.float32)
    b1 = jax.random.uniform(ks[2], (H1,), minval=-s1, maxval=s1, dtype=jnp.float32)
    s2 = 1.0 / np.sqrt(H1)
    W2 = jax.random.uniform(ks[3], (H2, H1), minval=-s2, maxval=s2, dtype=jnp.float32)
    b2 = jax.random.uniform(ks[4], (H2,), minval=-s2, maxval=s2, dtype=jnp.float32)
    s3 = 1.0 / np.sqrt(H2)
    W3 = jax.random.uniform(ks[5], (D_OUT, H2), minval=-s3, maxval=s3, dtype=jnp.float32)
    b3 = jax.random.uniform(ks[6], (D_OUT,), minval=-s3, maxval=s3, dtype=jnp.float32)
    sm = 1.0 / np.sqrt(3.0)
    meta_W = jax.random.uniform(ks[7], (1, 3), minval=-sm, maxval=sm, dtype=jnp.float32)
    meta_b = jax.random.uniform(ks[8], (1,), minval=-sm, maxval=sm, dtype=jnp.float32)
    return {"x": x, "W1": W1, "b1": b1, "W2": W2, "b2": b2, "W3": W3, "b3": b3, "meta_W": meta_W, "meta_b": meta_b}


def reference(x, W1, b1, W2, b2, W3, b3, meta_W, meta_b):
    # Plain 3-layer MLP forward (impulses recorded before weight update)
    h0 = x
    h1 = jax.nn.relu(h0 @ W1.T + b1)
    h2 = jax.nn.relu(h1 @ W2.T + b2)
    h3 = jax.nn.relu(h2 @ W3.T + b3)
    out = h3
    n = x.shape[0]  # original loops run over range(len(layer)) == batch dim

    def update(W, inp, outp):
        # get_update(v_i, w_ij, v_j) = meta_weight([v_i, w_ij, v_j])[0]
        # v_i = inp[0, input_index], v_j = outp[0, output_index],
        # w_ij = W[output_index, input_index]; indices in range(batch).
        vi = inp[0, :n]
        vj = outp[0, :n]
        w_sub = W[:n, :n]
        trip = jnp.stack(
            [
                jnp.broadcast_to(vi[None, :], (n, n)),
                w_sub,
                jnp.broadcast_to(vj[:, None], (n, n)),
            ],
            axis=-1,
        )  # [n, n, 3]
        new_w = trip @ meta_W[0] + meta_b[0]  # [n, n]
        return W.at[:n, :n].set(new_w)

    W1n = update(W1, h0, h1)
    W2n = update(W2, h1, h2)
    W3n = update(W3, h2, h3)
    # Original returns only `out`; the updated weights represent the in-place
    # .data mutation of the module state, returned here to make it observable.
    return out, W1n, W2n, W3n

if __name__ == "__main__":
    import jax
    _d = setup_inputs()
    print(jax.jit(kernel)(*tuple(_d.values())))

</pallas_src>

<mosaic_0001>
#map = affine_map<(d0, d1) -> (0, 0)>
module attributes {stable_mosaic.version = 14 : i64} {
  func.func @k(%arg0: i32, %arg1: i32, %arg2: memref<4096x4096xf32, #tpu.memory_space<hbm>>, %arg3: memref<4096x4096xf32, #tpu.memory_space<hbm>>) attributes {dimension_semantics = [#tpu.dimension_semantics<core_parallel>, #tpu.dimension_semantics<subcore_parallel>], iteration_bounds = array<i64: 2, 16>, scalar_prefetch = 0 : i64, scratch_operands = 0 : i64, tpu.core_type = #tpu.core_type<sc_vector_subcore>, window_params = [{transform_indices = #map}, {transform_indices = #map}]} {
    %mul3A = arith.constant 1 : i32
    %mul3A_0 = arith.muli %arg1, %mul3A : i32
    %add3A = arith.constant 0 : i32
    %add3A_1 = arith.addi %add3A, %mul3A_0 : i32
    %mul3A_2 = arith.constant 16 : i32
    %mul3A_3 = arith.muli %arg0, %mul3A_2 : i32
    %add3A_4 = arith.addi %add3A_1, %mul3A_3 : i32
    %mul3A_5 = arith.constant 16 : i32
    %mul3A_6 = arith.muli %add3A_4, %mul3A_5 : i32
    "tpu.region"() ({
      %run_scoped3A = memref.alloca() : memref<2x8x512xf32, #tpu.memory_space<vmem>>
      %run_scoped3A_7 = tpu.sem_alloc : memref<2x!tpu.dma_semaphore, #tpu.memory_space<semaphore_mem>>
      %run_scoped3A_8 = memref.alloca() : memref<2x8x512xf32, #tpu.memory_space<vmem>>
      %run_scoped3A_9 = tpu.sem_alloc : memref<2x!tpu.dma_semaphore, #tpu.memory_space<semaphore_mem>>
      %add3A_10 = arith.constant 0 : i32
      %add3A_11 = arith.addi %add3A_10, %mul3A_6 : i32
      %select_n3A = arith.constant true
      %select_n3A_12 = arith.constant 0 : i32
      %select_n3A_13 = arith.constant -1 : i32
      %select_n3A_14 = arith.select %select_n3A, %select_n3A_13, %select_n3A_12 : i32
      %eq3A = arith.constant -1 : i32
      %eq3A_15 = arith.cmpi eq, %select_n3A_14, %eq3A : i32
      %select_n3A_16 = arith.constant 7 : i32
      %select_n3A_17 = arith.select %eq3A_15, %select_n3A_16, %select_n3A_14 : i32
      %select_n3A_18 = arith.constant 0 : i32
      %select_n3A_19 = arith.constant -1 : i32
      %select_n3A_20 = arith.select %eq3A_15, %select_n3A_19, %select_n3A_18 : i32
      %eq3A_21 = arith.constant -1 : i32
      %eq3A_22 = arith.cmpi eq, %select_n3A_20, %eq3A_21 : i32
      %select_n3A_23 = arith.constant 15 : i32
      %select_n3A_24 = arith.select %eq3A_22, %select_n3A_23, %select_n3A_20 : i32
      %add3A_25 = arith.addi %select_n3A_24, %mul3A_6 : i32
      %add3A_26 = arith.constant 0 : i32
      %add3A_27 = arith.addi %select_n3A_17, %add3A_26 : i32
      %select_n3A_28 = arith.constant true
      %select_n3A_29 = arith.constant 0 : i32
      %select_n3A_30 = arith.constant 1 : i32
      %select_n3A_31 = arith.select %select_n3A_28, %select_n3A_30, %select_n3A_29 : i32
      %eq3A_32 = arith.constant 8 : i32
      %eq3A_33 = arith.cmpi eq, %select_n3A_31, %eq3A_32 : i32
      %select_n3A_34 = arith.constant 0 : i32
      %select_n3A_35 = arith.select %eq3A_33, %select_n3A_34, %select_n3A_31 : i32
      %select_n3A_36 = arith.constant 0 : i32
      %select_n3A_37 = arith.constant 1 : i32
      %select_n3A_38 = arith.select %eq3A_33, %select_n3A_37, %select_n3A_36 : i32
      %eq3A_39 = arith.constant 16 : i32
      %eq3A_40 = arith.cmpi eq, %select_n3A_38, %eq3A_39 : i32
      %select_n3A_41 = arith.constant 0 : i32
      %select_n3A_42 = arith.select %eq3A_40, %select_n3A_41, %select_n3A_38 : i32
      %add3A_43 = arith.addi %select_n3A_42, %mul3A_6 : i32
      %add3A_44 = arith.constant 0 : i32
      %add3A_45 = arith.addi %select_n3A_35, %add3A_44 : i32
      %add3A_46 = arith.constant 1 : i32
      %add3A_47 = arith.addi %select_n3A_35, %add3A_46 : i32
      %select_n3A_48 = arith.constant true
      %select_n3A_49 = arith.select %select_n3A_48, %add3A_47, %select_n3A_35 : i32
      %eq3A_50 = arith.constant 8 : i32
      %eq3A_51 = arith.cmpi eq, %select_n3A_49, %eq3A_50 : i32
      %select_n3A_52 = arith.constant 0 : i32
      %select_n3A_53 = arith.select %eq3A_51, %select_n3A_52, %select_n3A_49 : i32
      %add3A_54 = arith.constant 1 : i32
      %add3A_55 = arith.addi %select_n3A_42, %add3A_54 : i32
      %select_n3A_56 = arith.select %eq3A_51, %add3A_55, %select_n3A_42 : i32
      %eq3A_57 = arith.constant 16 : i32
      %eq3A_58 = arith.cmpi eq, %select_n3A_56, %eq3A_57 : i32
      %select_n3A_59 = arith.constant 0 : i32
      %select_n3A_60 = arith.select %eq3A_58, %select_n3A_59, %select_n3A_56 : i32
      %add3A_61 = arith.addi %select_n3A_60, %mul3A_6 : i32
      %add3A_62 = arith.constant 0 : i32
      %add3A_63 = arith.addi %select_n3A_53, %add3A_62 : i32
      "tpu.trace_start"() <{level = 10 : i32, message = "ep_initialize_0"}> : () -> ()
      %rem3A = arith.constant 0 : i32
      %rem3A_64 = arith.constant 2 : i32
      %rem3A_65 = arith.remui %rem3A, %rem3A_64 : i32
      %mul3A_66 = arith.constant 8 : i32
      %mul3A_67 = arith.muli %mul3A_66, %add3A_11 : i32
      %dma_start3A = arith.constant 0 : i32
      %dma_start3A_68 = arith.constant 0 : i32
      %dma_start3A_69 = tpu.memref_slice %run_scoped3A[%rem3A_65, %dma_start3A, %dma_start3A_68] : memref<2x8x512xf32, #tpu.memory_space<vmem>> -> memref<1x8x512xf32, #tpu.memory_space<vmem>>
      %dma_start3A_70 = tpu.memref_squeeze %dma_start3A_69 : memref<1x8x512xf32, #tpu.memory_space<vmem>> -> memref<8x512xf32, #tpu.memory_space<vmem>>
      %dma_start3A_71 = arith.constant 0 : i32
      %dma_start3A_72 = tpu.memref_slice %arg2[%mul3A_67, %dma_start3A_71] : memref<4096x4096xf32, #tpu.memory_space<hbm>> -> memref<8x512xf32, #tpu.memory_space<hbm>>
      %dma_start3A_73 = tpu.memref_slice %run_scoped3A_7[%rem3A_65] : memref<2x!tpu.dma_semaphore, #tpu.memory_space<semaphore_mem>> -> memref<1x!tpu.dma_semaphore, #tpu.memory_space<semaphore_mem>>
      %dma_start3A_74 = tpu.memref_squeeze %dma_start3A_73 : memref<1x!tpu.dma_semaphore, #tpu.memory_space<semaphore_mem>> -> memref<!tpu.dma_semaphore, #tpu.memory_space<semaphore_mem>>
      %dma_start3A_75 = arith.constant 0 : i32
      %dma_start3A_76 = arith.constant 0 : i32
      %dma_start3A_77 = tpu.memref_slice %run_scoped3A[%rem3A_65, %dma_start3A_75, %dma_start3A_76] : memref<2x8x512xf32, #tpu.memory_space<vmem>> -> memref<1x8x512xf32, #tpu.memory_space<vmem>>
      %dma_start3A_78 = tpu.memref_squeeze %dma_start3A_77 : memref<1x8x512xf32, #tpu.memory_space<vmem>> -> memref<8x512xf32, #tpu.memory_space<vmem>>
      %dma_start3A_79 = arith.constant 0 : i32
      %dma_start3A_80 = tpu.memref_slice %arg2[%mul3A_67, %dma_start3A_79] : memref<4096x4096xf32, #tpu.memory_space<hbm>> -> memref<8x512xf32, #tpu.memory_space<hbm>>
      tpu.enqueue_dma source(%dma_start3A_80 : memref<8x512xf32, #tpu.memory_space<hbm>>) target(%dma_start3A_78 : memref<8x512xf32, #tpu.memory_space<vmem>>) target_semaphore(%dma_start3A_74 : memref<!tpu.dma_semaphore, #tpu.memory_space<semaphore_mem>>)
      %add3A_81 = arith.constant 0 : i32
      %add3A_82 = arith.constant 1 : i32
      %add3A_83 = arith.addi %add3A_81, %add3A_82 : i32
      %select_n3A_84 = arith.constant true
      %select_n3A_85 = arith.constant 0 : i32
      %select_n3A_86 = arith.select %select_n3A_84, %add3A_83, %select_n3A_85 : i32
      "tpu.trace_stop"() : () -> ()
      %scan3A = arith.constant 0 : i32
      %scan3A_87 = arith.constant 0 : i32
      %scan3A_88 = arith.constant 0 : i32
      %scan3A_89 = arith.constant 0 : i32
      %scan3A_90 = arith.constant 0 : i32
      %scan3A_91 = arith.constant 0 : i32
      %scan3A_92 = arith.constant 128 : i32
      %scan3A_93 = arith.addi %scan3A_91, %scan3A_92 : i32
      %scan3A_94 = arith.constant 1 : i32
      %scan3A_95:6 = scf.for %scan3A_185 = %scan3A_91 to %scan3A_93 step %scan3A_94 iter_args(%scan3A_186 = %select_n3A_86, %scan3A_187 = %scan3A, %scan3A_188 = %scan3A_87, %scan3A_189 = %scan3A_88, %scan3A_190 = %scan3A_89, %scan3A_191 = %scan3A_90) -> (i32, i32, i32, i32, i32, i32)  : i32 {
        %eq3A_192 = arith.constant 0 : i32
        %eq3A_193 = arith.cmpi eq, %scan3A_185, %eq3A_192 : i32
        %eq3A_194 = arith.constant 127 : i32
        %eq3A_195 = arith.cmpi eq, %scan3A_185, %eq3A_194 : i32
        %add3A_196 = arith.addi %scan3A_190, %mul3A_6 : i32
        %add3A_197 = arith.constant 0 : i32
        %add3A_198 = arith.addi %scan3A_191, %add3A_197 : i32
        %sub3A_199 = arith.constant 1 : i32
        %sub3A_200 = arith.subi %scan3A_191, %sub3A_199 : i32
        %select_n3A_201 = arith.constant true
        %select_n3A_202 = arith.select %select_n3A_201, %sub3A_200, %scan3A_191 : i32
        %eq3A_203 = arith.constant -1 : i32
        %eq3A_204 = arith.cmpi eq, %select_n3A_202, %eq3A_203 : i32
        %select_n3A_205 = arith.constant 7 : i32
        %select_n3A_206 = arith.select %eq3A_204, %select_n3A_205, %select_n3A_202 : i32
        %sub3A_207 = arith.constant 1 : i32
        %sub3A_208 = arith.subi %scan3A_190, %sub3A_207 : i32
        %select_n3A_209 = arith.select %eq3A_204, %sub3A_208, %scan3A_190 : i32
        %eq3A_210 = arith.constant -1 : i32
        %eq3A_211 = arith.cmpi eq, %select_n3A_209, %eq3A_210 : i32
        %select_n3A_212 = arith.constant 15 : i32
        %select_n3A_213 = arith.select %eq3A_211, %select_n3A_212, %select_n3A_209 : i32
        %add3A_214 = arith.addi %select_n3A_213, %mul3A_6 : i32
        %add3A_215 = arith.constant 0 : i32
        %add3A_216 = arith.addi %select_n3A_206, %add3A_215 : i32
        %add3A_217 = arith.constant 1 : i32
        %add3A_218 = arith.addi %scan3A_191, %add3A_217 : i32
        %select_n3A_219 = arith.constant true
        %select_n3A_220 = arith.select %select_n3A_219, %add3A_218, %scan3A_191 : i32
        %eq3A_221 = arith.constant 8 : i32
        %eq3A_222 = arith.cmpi eq, %select_n3A_220, %eq3A_221 : i32
        %select_n3A_223 = arith.constant 0 : i32
        %select_n3A_224 = arith.select %eq3A_222, %select_n3A_223, %select_n3A_220 : i32
        %add3A_225 = arith.constant 1 : i32
        %add3A_226 = arith.addi %scan3A_190, %add3A_225 : i32
        %select_n3A_227 = arith.select %eq3A_222, %add3A_226, %scan3A_190 : i32
        %eq3A_228 = arith.constant 16 : i32
        %eq3A_229 = arith.cmpi eq, %select_n3A_227, %eq3A_228 : i32
        %select_n3A_230 = arith.constant 0 : i32
        %select_n3A_231 = arith.select %eq3A_229, %select_n3A_230, %select_n3A_227 : i32
        %add3A_232 = arith.addi %select_n3A_231, %mul3A_6 : i32
        %add3A_233 = arith.constant 0 : i32
        %add3A_234 = arith.addi %select_n3A_224, %add3A_233 : i32
        %add3A_235 = arith.constant 1 : i32
        %add3A_236 = arith.addi %select_n3A_224, %add3A_235 : i32
        %select_n3A_237 = arith.constant true
        %select_n3A_238 = arith.select %select_n3A_237, %add3A_236, %select_n3A_224 : i32
        %eq3A_239 = arith.constant 8 : i32
        %eq3A_240 = arith.cmpi eq, %select_n3A_238, %eq3A_239 : i32
        %select_n3A_241 = arith.constant 0 : i32
        %select_n3A_242 = arith.select %eq3A_240, %select_n3A_241, %select_n3A_238 : i32
        %add3A_243 = arith.constant 1 : i32
        %add3A_244 = arith.addi %select_n3A_231, %add3A_243 : i32
        %select_n3A_245 = arith.select %eq3A_240, %add3A_244, %select_n3A_231 : i32
        %eq3A_246 = arith.constant 16 : i32
        %eq3A_247 = arith.cmpi eq, %select_n3A_245, %eq3A_246 : i32
        %select_n3A_248 = arith.constant 0 : i32
        %select_n3A_249 = arith.select %eq3A_247, %select_n3A_248, %select_n3A_245 : i32
        %add3A_250 = arith.addi %select_n3A_249, %mul3A_6 : i32
        %add3A_251 = arith.constant 0 : i32
        %add3A_252 = arith.addi %select_n3A_242, %add3A_251 : i32
        %ne3A = arith.cmpi ne, %add3A_196, %add3A_232 : i32
        %ne3A_253 = arith.cmpi ne, %add3A_198, %add3A_234 : i32
        %or3A = arith.constant false
        %or3A_254 = arith.ori %or3A, %ne3A : i1
        %or3A_255 = arith.ori %or3A_254, %ne3A_253 : i1
        %ge3A = arith.constant 127 : i32
        %ge3A_256 = arith.cmpi sge, %scan3A_185, %ge3A : i32
        %not3A = arith.constant true
        %not3A_257 = arith.xori %ge3A_256, %not3A : i1
        %and3A = arith.andi %or3A_255, %not3A_257 : i1
        %convert_element_type3A = arith.extui %and3A : i1 to i32
        %cond3A = arith.constant 0 : i32
        %cond3A_258 = arith.cmpi ne, %convert_element_type3A, %cond3A : i32
        scf.if %cond3A_258 {
          "tpu.trace_start"() <{level = 10 : i32, message = "ep_copy_in"}> : () -> ()
          %rem3A_383 = arith.constant 2 : i32
          %rem3A_384 = arith.remui %scan3A_186, %rem3A_383 : i32
          %mul3A_385 = arith.constant 8 : i32
          %mul3A_386 = arith.muli %mul3A_385, %add3A_232 : i32
          %mul3A_387 = arith.constant 512 : i32
          %mul3A_388 = arith.muli %mul3A_387, %add3A_234 : i32
          %dma_start3A_389 = arith.constant 0 : i32
          %dma_start3A_390 = arith.constant 0 : i32
          %dma_start3A_391 = tpu.memref_slice %run_scoped3A[%rem3A_384, %dma_start3A_389, %dma_start3A_390] : memref<2x8x512xf32, #tpu.memory_space<vmem>> -> memref<1x8x512xf32, #tpu.memory_space<vmem>>
          %dma_start3A_392 = tpu.memref_squeeze %dma_start3A_391 : memref<1x8x512xf32, #tpu.memory_space<vmem>> -> memref<8x512xf32, #tpu.memory_space<vmem>>
          %dma_start3A_393 = tpu.memref_slice %arg2[%mul3A_386, %mul3A_388] : memref<4096x4096xf32, #tpu.memory_space<hbm>> -> memref<8x512xf32, #tpu.memory_space<hbm>>
          %dma_start3A_394 = tpu.memref_slice %run_scoped3A_7[%rem3A_384] : memref<2x!tpu.dma_semaphore, #tpu.memory_space<semaphore_mem>> -> memref<1x!tpu.dma_semaphore, #tpu.memory_space<semaphore_mem>>
          %dma_start3A_395 = tpu.memref_squeeze %dma_start3A_394 : memref<1x!tpu.dma_semaphore, #tpu.memory_space<semaphore_mem>> -> memref<!tpu.dma_semaphore, #tpu.memory_space<semaphore_mem>>
          %dma_start3A_396 = arith.constant 0 : i32
          %dma_start3A_397 = arith.constant 0 : i32
          %dma_start3A_398 = tpu.memref_slice %run_scoped3A[%rem3A_384, %dma_start3A_396, %dma_start3A_397] : memref<2x8x512xf32, #tpu.memory_space<vmem>> -> memref<1x8x512xf32, #tpu.memory_space<vmem>>
          %dma_start3A_399 = tpu.memref_squeeze %dma_start3A_398 : memref<1x8x512xf32, #tpu.memory_space<vmem>> -> memref<8x512xf32, #tpu.memory_space<vmem>>
          %dma_start3A_400 = tpu.memref_slice %arg2[%mul3A_386, %mul3A_388] : memref<4096x4096xf32, #tpu.memory_space<hbm>> -> memref<8x512xf32, #tpu.memory_space<hbm>>
          tpu.enqueue_dma source(%dma_start3A_400 : memref<8x512xf32, #tpu.memory_space<hbm>>) target(%dma_start3A_399 : memref<8x512xf32, #tpu.memory_space<vmem>>) target_semaphore(%dma_start3A_395 : memref<!tpu.dma_semaphore, #tpu.memory_space<semaphore_mem>>)
          "tpu.trace_stop"() : () -> ()
        } else {
        }
        %and3A_259 = arith.constant true
        %and3A_260 = arith.andi %and3A, %and3A_259 : i1
        %add3A_261 = arith.constant 1 : i32
        %add3A_262 = arith.addi %scan3A_186, %add3A_261 : i32
        %select_n3A_263 = arith.select %and3A_260, %add3A_262, %scan3A_186 : i32
        %ne3A_264 = arith.cmpi ne, %add3A_196, %add3A_232 : i32
        %ne3A_265 = arith.cmpi ne, %add3A_198, %add3A_234 : i32
        %or3A_266 = arith.constant false
        %or3A_267 = arith.ori %or3A_266, %ne3A_264 : i1
        %or3A_268 = arith.ori %or3A_267, %ne3A_265 : i1
        %ge3A_269 = arith.constant 127 : i32
        %ge3A_270 = arith.cmpi sge, %scan3A_185, %ge3A_269 : i32
        %not3A_271 = arith.constant true
        %not3A_272 = arith.xori %ge3A_270, %not3A_271 : i1
        %and3A_273 = arith.andi %or3A_268, %not3A_272 : i1
        %ne3A_274 = arith.cmpi ne, %add3A_196, %add3A_214 : i32
        %ne3A_275 = arith.cmpi ne, %add3A_198, %add3A_216 : i32
        %or3A_276 = arith.constant false
        %or3A_277 = arith.ori %or3A_276, %ne3A_274 : i1
        %or3A_278 = arith.ori %or3A_277, %ne3A_275 : i1
        %or3A_279 = arith.ori %or3A_278, %eq3A_193 : i1
        %convert_element_type3A_280 = arith.extui %or3A_279 : i1 to i32
        %cond3A_281 = arith.constant 0 : i32
        %cond3A_282 = arith.cmpi ne, %convert_element_type3A_280, %cond3A_281 : i32
        scf.if %cond3A_282 {
          "tpu.trace_start"() <{level = 10 : i32, message = "ep_wait_in"}> : () -> ()
          %mul3A_383 = arith.constant 8 : i32
          %mul3A_384 = arith.muli %mul3A_383, %add3A_196 : i32
          %mul3A_385 = arith.constant 512 : i32
          %mul3A_386 = arith.muli %mul3A_385, %add3A_198 : i32
          %rem3A_387 = arith.constant 2 : i32
          %rem3A_388 = arith.remui %scan3A_187, %rem3A_387 : i32
          %dma_wait3A_389 = arith.constant 0 : i32
          %dma_wait3A_390 = arith.constant 0 : i32
          %dma_wait3A_391 = tpu.memref_slice %run_scoped3A[%rem3A_388, %dma_wait3A_389, %dma_wait3A_390] : memref<2x8x512xf32, #tpu.memory_space<vmem>> -> memref<1x8x512xf32, #tpu.memory_space<vmem>>
          %dma_wait3A_392 = tpu.memref_squeeze %dma_wait3A_391 : memref<1x8x512xf32, #tpu.memory_space<vmem>> -> memref<8x512xf32, #tpu.memory_space<vmem>>
          %dma_wait3A_393 = tpu.memref_slice %arg2[%mul3A_384, %mul3A_386] : memref<4096x4096xf32, #tpu.memory_space<hbm>> -> memref<8x512xf32, #tpu.memory_space<hbm>>
          %dma_wait3A_394 = tpu.memref_slice %run_scoped3A_7[%rem3A_388] : memref<2x!tpu.dma_semaphore, #tpu.memory_space<semaphore_mem>> -> memref<1x!tpu.dma_semaphore, #tpu.memory_space<semaphore_mem>>
          %dma_wait3A_395 = tpu.memref_squeeze %dma_wait3A_394 : memref<1x!tpu.dma_semaphore, #tpu.memory_space<semaphore_mem>> -> memref<!tpu.dma_semaphore, #tpu.memory_space<semaphore_mem>>
          %dma_wait3A_396 = arith.constant 0 : i32
          %dma_wait3A_397 = arith.constant 0 : i32
          %dma_wait3A_398 = tpu.memref_slice %run_scoped3A[%rem3A_388, %dma_wait3A_396, %dma_wait3A_397] : memref<2x8x512xf32, #tpu.memory_space<vmem>> -> memref<1x8x512xf32, #tpu.memory_space<vmem>>
          %dma_wait3A_399 = tpu.memref_squeeze %dma_wait3A_398 : memref<1x8x512xf32, #tpu.memory_space<vmem>> -> memref<8x512xf32, #tpu.memory_space<vmem>>
          %dma_wait3A_400 = tpu.memref_slice %arg2[%mul3A_384, %mul3A_386] : memref<4096x4096xf32, #tpu.memory_space<hbm>> -> memref<8x512xf32, #tpu.memory_space<hbm>>
          tpu.wait_dma2 semaphore(%dma_wait3A_395 : memref<!tpu.dma_semaphore, #tpu.memory_space<semaphore_mem>>) src(%dma_wait3A_400 : memref<8x512xf32, #tpu.memory_space<hbm>>) dst(%dma_wait3A_399 : memref<8x512xf32, #tpu.memory_space<vmem>>)
          "tpu.trace_stop"() : () -> ()
        } else {
        }
        %ne3A_283 = arith.cmpi ne, %add3A_196, %add3A_214 : i32
        %ne3A_284 = arith.cmpi ne, %add3A_198, %add3A_216 : i32
        %or3A_285 = arith.constant false
        %or3A_286 = arith.ori %or3A_285, %ne3A_283 : i1
        %or3A_287 = arith.ori %or3A_286, %ne3A_284 : i1
        %or3A_288 = arith.ori %or3A_287, %eq3A_193 : i1
        %convert_element_type3A_289 = arith.extui %or3A_288 : i1 to i32
        %cond3A_290 = arith.constant 0 : i32
        %cond3A_291 = arith.cmpi ne, %convert_element_type3A_289, %cond3A_290 : i32
        scf.if %cond3A_291 {
        } else {
        }
        %rem3A_292 = arith.constant 2 : i32
        %rem3A_293 = arith.remui %scan3A_187, %rem3A_292 : i32
        %rem3A_294 = arith.constant 2 : i32
        %rem3A_295 = arith.remui %scan3A_188, %rem3A_294 : i32
        "tpu.trace_start"() <{level = 10 : i32, message = "ep_run_kernel"}> : () -> ()
        %get3A = arith.index_cast %rem3A_293 : i32 to index
        %get3A_296 = arith.constant 0 : index
        %get3A_297 = arith.constant 0 : index
        %get3A_298 = tpu.vector_load %run_scoped3A[%get3A, %get3A_296, %get3A_297] {strides = array<i32>} : memref<2x8x512xf32, #tpu.memory_space<vmem>>, vector<1x8x512xf32>,
        %get3A_299 = vector.shape_cast %get3A_298 : vector<1x8x512xf32> to vector<8x512xf32>
        %swap3A = arith.index_cast %rem3A_295 : i32 to index
        %swap3A_300 = arith.constant 0 : index
        %swap3A_301 = arith.constant 0 : index
        %swap3A_302 = tpu.vector_load %run_scoped3A_8[%swap3A, %swap3A_300, %swap3A_301] {strides = array<i32>} : memref<2x8x512xf32, #tpu.memory_space<vmem>>, vector<1x8x512xf32>,
        %swap3A_303 = vector.shape_cast %swap3A_302 : vector<1x8x512xf32> to vector<8x512xf32>
        %swap3A_304 = vector.shape_cast %get3A_299 : vector<8x512xf32> to vector<1x8x512xf32>
        tpu.vector_store %run_scoped3A_8[%swap3A, %swap3A_300, %swap3A_301], %swap3A_304 {strides = array<i32>} : memref<2x8x512xf32, #tpu.memory_space<vmem>>, vector<1x8x512xf32>,
        "tpu.trace_stop"() : () -> ()
        %ne3A_305 = arith.cmpi ne, %add3A_196, %add3A_232 : i32
        %ne3A_306 = arith.cmpi ne, %add3A_198, %add3A_234 : i32
        %or3A_307 = arith.constant false
        %or3A_308 = arith.ori %or3A_307, %ne3A_305 : i1
        %or3A_309 = arith.ori %or3A_308, %ne3A_306 : i1
        %or3A_310 = arith.ori %or3A_309, %eq3A_195 : i1
        %convert_element_type3A_311 = arith.extui %or3A_310 : i1 to i32
        %cond3A_312 = arith.constant 0 : i32
        %cond3A_313 = arith.cmpi ne, %convert_element_type3A_311, %cond3A_312 : i32
        scf.if %cond3A_313 {
        } else {
        }
        %and3A_314 = arith.constant false
        %and3A_315 = arith.andi %or3A_310, %and3A_314 : i1
        %ne3A_316 = arith.cmpi ne, %add3A_196, %add3A_232 : i32
        %ne3A_317 = arith.cmpi ne, %add3A_198, %add3A_234 : i32
        %or3A_318 = arith.constant false
        %or3A_319 = arith.ori %or3A_318, %ne3A_316 : i1
        %or3A_320 = arith.ori %or3A_319, %ne3A_317 : i1
        %or3A_321 = arith.ori %or3A_320, %eq3A_195 : i1
        %convert_element_type3A_322 = arith.extui %or3A_321 : i1 to i32
        %cond3A_323 = arith.constant 0 : i32
        %cond3A_324 = arith.cmpi ne, %convert_element_type3A_322, %cond3A_323 : i32
        scf.if %cond3A_324 {
          "tpu.trace_start"() <{level = 10 : i32, message = "ep_copy_out"}> : () -> ()
          %rem3A_383 = arith.constant 2 : i32
          %rem3A_384 = arith.remui %scan3A_188, %rem3A_383 : i32
          %mul3A_385 = arith.constant 8 : i32
          %mul3A_386 = arith.muli %mul3A_385, %add3A_196 : i32
          %mul3A_387 = arith.constant 512 : i32
          %mul3A_388 = arith.muli %mul3A_387, %add3A_198 : i32
          %dma_start3A_389 = arith.constant 0 : i32
          %dma_start3A_390 = arith.constant 0 : i32
          %dma_start3A_391 = tpu.memref_slice %run_scoped3A_8[%rem3A_384, %dma_start3A_389, %dma_start3A_390] : memref<2x8x512xf32, #tpu.memory_space<vmem>> -> memref<1x8x512xf32, #tpu.memory_space<vmem>>
          %dma_start3A_392 = tpu.memref_squeeze %dma_start3A_391 : memref<1x8x512xf32, #tpu.memory_space<vmem>> -> memref<8x512xf32, #tpu.memory_space<vmem>>
          %dma_start3A_393 = tpu.memref_slice %arg3[%mul3A_386, %mul3A_388] : memref<4096x4096xf32, #tpu.memory_space<hbm>> -> memref<8x512xf32, #tpu.memory_space<hbm>>
          %dma_start3A_394 = tpu.memref_slice %run_scoped3A_9[%rem3A_384] : memref<2x!tpu.dma_semaphore, #tpu.memory_space<semaphore_mem>> -> memref<1x!tpu.dma_semaphore, #tpu.memory_space<semaphore_mem>>
          %dma_start3A_395 = tpu.memref_squeeze %dma_start3A_394 : memref<1x!tpu.dma_semaphore, #tpu.memory_space<semaphore_mem>> -> memref<!tpu.dma_semaphore, #tpu.memory_space<semaphore_mem>>
          %dma_start3A_396 = tpu.memref_slice %arg3[%mul3A_386, %mul3A_388] : memref<4096x4096xf32, #tpu.memory_space<hbm>> -> memref<8x512xf32, #tpu.memory_space<hbm>>
          %dma_start3A_397 = arith.constant 0 : i32
          %dma_start3A_398 = arith.constant 0 : i32
          %dma_start3A_399 = tpu.memref_slice %run_scoped3A_8[%rem3A_384, %dma_start3A_397, %dma_start3A_398] : memref<2x8x512xf32, #tpu.memory_space<vmem>> -> memref<1x8x512xf32, #tpu.memory_space<vmem>>
          %dma_start3A_400 = tpu.memref_squeeze %dma_start3A_399 : memref<1x8x512xf32, #tpu.memory_space<vmem>> -> memref<8x512xf32, #tpu.memory_space<vmem>>
          tpu.enqueue_dma source(%dma_start3A_400 : memref<8x512xf32, #tpu.memory_space<vmem>>) target(%dma_start3A_396 : memref<8x512xf32, #tpu.memory_space<hbm>>) target_semaphore(%dma_start3A_395 : memref<!tpu.dma_semaphore, #tpu.memory_space<semaphore_mem>>)
          "tpu.trace_stop"() : () -> ()
        } else {
        }
        %and3A_325 = arith.constant true
        %and3A_326 = arith.andi %or3A_321, %and3A_325 : i1
        %add3A_327 = arith.constant 1 : i32
        %add3A_328 = arith.addi %scan3A_188, %add3A_327 : i32
        %select_n3A_329 = arith.select %and3A_326, %add3A_328, %scan3A_188 : i32
        %ne3A_330 = arith.cmpi ne, %add3A_196, %add3A_214 : i32
        %ne3A_331 = arith.cmpi ne, %add3A_198, %add3A_216 : i32
        %or3A_332 = arith.constant false
        %or3A_333 = arith.ori %or3A_332, %ne3A_330 : i1
        %or3A_334 = arith.ori %or3A_333, %ne3A_331 : i1
        %not3A_335 = arith.constant true
        %not3A_336 = arith.xori %eq3A_193, %not3A_335 : i1
        %and3A_337 = arith.andi %or3A_334, %not3A_336 : i1
        %convert_element_type3A_338 = arith.extui %and3A_337 : i1 to i32
        %cond3A_339 = arith.constant 0 : i32
        %cond3A_340 = arith.cmpi ne, %convert_element_type3A_338, %cond3A_339 : i32
        scf.if %cond3A_340 {
        } else {
        }
        %and3A_341 = arith.constant false
        %and3A_342 = arith.andi %and3A_337, %and3A_341 : i1
        %ne3A_343 = arith.cmpi ne, %add3A_196, %add3A_214 : i32
        %ne3A_344 = arith.cmpi ne, %add3A_198, %add3A_216 : i32
        %or3A_345 = arith.constant false
        %or3A_346 = arith.ori %or3A_345, %ne3A_343 : i1
        %or3A_347 = arith.ori %or3A_346, %ne3A_344 : i1
        %not3A_348 = arith.constant true
        %not3A_349 = arith.xori %eq3A_193, %not3A_348 : i1
        %and3A_350 = arith.andi %or3A_347, %not3A_349 : i1
        %convert_element_type3A_351 = arith.extui %and3A_350 : i1 to i32
        %cond3A_352 = arith.constant 0 : i32
        %cond3A_353 = arith.cmpi ne, %convert_element_type3A_351, %cond3A_352 : i32
        scf.if %cond3A_353 {
          "tpu.trace_start"() <{level = 10 : i32, message = "ep_wait_out"}> : () -> ()
          %rem3A_383 = arith.constant 2 : i32
          %rem3A_384 = arith.remui %scan3A_189, %rem3A_383 : i32
          %mul3A_385 = arith.constant 8 : i32
          %mul3A_386 = arith.muli %mul3A_385, %add3A_214 : i32
          %mul3A_387 = arith.constant 512 : i32
          %mul3A_388 = arith.muli %mul3A_387, %add3A_216 : i32
          %dma_wait3A_389 = arith.constant 0 : i32
          %dma_wait3A_390 = arith.constant 0 : i32
          %dma_wait3A_391 = tpu.memref_slice %run_scoped3A_8[%rem3A_384, %dma_wait3A_389, %dma_wait3A_390] : memref<2x8x512xf32, #tpu.memory_space<vmem>> -> memref<1x8x512xf32, #tpu.memory_space<vmem>>
          %dma_wait3A_392 = tpu.memref_squeeze %dma_wait3A_391 : memref<1x8x512xf32, #tpu.memory_space<vmem>> -> memref<8x512xf32, #tpu.memory_space<vmem>>
          %dma_wait3A_393 = tpu.memref_slice %arg3[%mul3A_386, %mul3A_388] : memref<4096x4096xf32, #tpu.memory_space<hbm>> -> memref<8x512xf32, #tpu.memory_space<hbm>>
          %dma_wait3A_394 = tpu.memref_slice %run_scoped3A_9[%rem3A_384] : memref<2x!tpu.dma_semaphore, #tpu.memory_space<semaphore_mem>> -> memref<1x!tpu.dma_semaphore, #tpu.memory_space<semaphore_mem>>
          %dma_wait3A_395 = tpu.memref_squeeze %dma_wait3A_394 : memref<1x!tpu.dma_semaphore, #tpu.memory_space<semaphore_mem>> -> memref<!tpu.dma_semaphore, #tpu.memory_space<semaphore_mem>>
          %dma_wait3A_396 = tpu.memref_slice %arg3[%mul3A_386, %mul3A_388] : memref<4096x4096xf32, #tpu.memory_space<hbm>> -> memref<8x512xf32, #tpu.memory_space<hbm>>
          %dma_wait3A_397 = arith.constant 0 : i32
          %dma_wait3A_398 = arith.constant 0 : i32
          %dma_wait3A_399 = tpu.memref_slice %run_scoped3A_8[%rem3A_384, %dma_wait3A_397, %dma_wait3A_398] : memref<2x8x512xf32, #tpu.memory_space<vmem>> -> memref<1x8x512xf32, #tpu.memory_space<vmem>>
          %dma_wait3A_400 = tpu.memref_squeeze %dma_wait3A_399 : memref<1x8x512xf32, #tpu.memory_space<vmem>> -> memref<8x512xf32, #tpu.memory_space<vmem>>
          tpu.wait_dma2 semaphore(%dma_wait3A_395 : memref<!tpu.dma_semaphore, #tpu.memory_space<semaphore_mem>>) src(%dma_wait3A_400 : memref<8x512xf32, #tpu.memory_space<vmem>>) dst(%dma_wait3A_396 : memref<8x512xf32, #tpu.memory_space<hbm>>)
          "tpu.trace_stop"() : () -> ()
        } else {
        }
        %and3A_354 = arith.constant true
        %and3A_355 = arith.andi %and3A_350, %and3A_354 : i1
        %add3A_356 = arith.constant 1 : i32
        %add3A_357 = arith.addi %scan3A_189, %add3A_356 : i32
        %select_n3A_358 = arith.select %and3A_355, %add3A_357, %scan3A_189 : i32
        %ne3A_359 = arith.cmpi ne, %add3A_196, %add3A_232 : i32
        %ne3A_360 = arith.cmpi ne, %add3A_198, %add3A_234 : i32
        %or3A_361 = arith.constant false
        %or3A_362 = arith.ori %or3A_361, %ne3A_359 : i1
        %or3A_363 = arith.ori %or3A_362, %ne3A_360 : i1
        %or3A_364 = arith.ori %or3A_363, %eq3A_195 : i1
        %add3A_365 = arith.constant 1 : i32
        %add3A_366 = arith.addi %scan3A_187, %add3A_365 : i32
        %select_n3A_367 = arith.select %or3A_364, %add3A_366, %scan3A_187 : i32
        %add3A_368 = arith.constant 1 : i32
        %add3A_369 = arith.addi %scan3A_191, %add3A_368 : i32
        %select_n3A_370 = arith.constant true
        %select_n3A_371 = arith.select %select_n3A_370, %add3A_369, %scan3A_191 : i32
        %eq3A_372 = arith.constant 8 : i32
        %eq3A_373 = arith.cmpi eq, %select_n3A_371, %eq3A_372 : i32
        %select_n3A_374 = arith.constant 0 : i32
        %select_n3A_375 = arith.select %eq3A_373, %select_n3A_374, %select_n3A_371 : i32
        %add3A_376 = arith.constant 1 : i32
        %add3A_377 = arith.addi %scan3A_190, %add3A_376 : i32
        %select_n3A_378 = arith.select %eq3A_373, %add3A_377, %scan3A_190 : i32
        %eq3A_379 = arith.constant 16 : i32
        %eq3A_380 = arith.cmpi eq, %select_n3A_378, %eq3A_379 : i32
        %select_n3A_381 = arith.constant 0 : i32
        %select_n3A_382 = arith.select %eq3A_380, %select_n3A_381, %select_n3A_378 : i32
        scf.yield %select_n3A_263, %select_n3A_367, %select_n3A_329, %select_n3A_358, %select_n3A_382, %select_n3A_375 : i32, i32, i32, i32, i32, i32
      }
      %scan3A_96 = arith.constant 128 : i32
      %sub3A = arith.constant 1 : i32
      %sub3A_97 = arith.subi %scan3A_95#5, %sub3A : i32
      %select_n3A_98 = arith.constant true
      %select_n3A_99 = arith.select %select_n3A_98, %sub3A_97, %scan3A_95#5 : i32
      %eq3A_100 = arith.constant -1 : i32
      %eq3A_101 = arith.cmpi eq, %select_n3A_99, %eq3A_100 : i32
      %select_n3A_102 = arith.constant 7 : i32
      %select_n3A_103 = arith.select %eq3A_101, %select_n3A_102, %select_n3A_99 : i32
      %sub3A_104 = arith.constant 1 : i32
      %sub3A_105 = arith.subi %scan3A_95#4, %sub3A_104 : i32
      %select_n3A_106 = arith.select %eq3A_101, %sub3A_105, %scan3A_95#4 : i32
      %eq3A_107 = arith.constant -1 : i32
      %eq3A_108 = arith.cmpi eq, %select_n3A_106, %eq3A_107 : i32
      %select_n3A_109 = arith.constant 15 : i32
      %select_n3A_110 = arith.select %eq3A_108, %select_n3A_109, %select_n3A_106 : i32
      %add3A_111 = arith.addi %select_n3A_110, %mul3A_6 : i32
      %add3A_112 = arith.constant 0 : i32
      %add3A_113 = arith.addi %select_n3A_103, %add3A_112 : i32
      %sub3A_114 = arith.constant 1 : i32
      %sub3A_115 = arith.subi %select_n3A_103, %sub3A_114 : i32
      %select_n3A_116 = arith.constant true
      %select_n3A_117 = arith.select %select_n3A_116, %sub3A_115, %select_n3A_103 : i32
      %eq3A_118 = arith.constant -1 : i32
      %eq3A_119 = arith.cmpi eq, %select_n3A_117, %eq3A_118 : i32
      %select_n3A_120 = arith.constant 7 : i32
      %select_n3A_121 = arith.select %eq3A_119, %select_n3A_120, %select_n3A_117 : i32
      %sub3A_122 = arith.constant 1 : i32
      %sub3A_123 = arith.subi %select_n3A_110, %sub3A_122 : i32
      %select_n3A_124 = arith.select %eq3A_119, %sub3A_123, %select_n3A_110 : i32
      %eq3A_125 = arith.constant -1 : i32
      %eq3A_126 = arith.cmpi eq, %select_n3A_124, %eq3A_125 : i32
      %select_n3A_127 = arith.constant 15 : i32
      %select_n3A_128 = arith.select %eq3A_126, %select_n3A_127, %select_n3A_124 : i32
      %add3A_129 = arith.addi %select_n3A_128, %mul3A_6 : i32
      %add3A_130 = arith.constant 0 : i32
      %add3A_131 = arith.addi %select_n3A_121, %add3A_130 : i32
      %add3A_132 = arith.constant 1 : i32
      %add3A_133 = arith.addi %select_n3A_103, %add3A_132 : i32
      %select_n3A_134 = arith.constant true
      %select_n3A_135 = arith.select %select_n3A_134, %add3A_133, %select_n3A_103 : i32
      %eq3A_136 = arith.constant 8 : i32
      %eq3A_137 = arith.cmpi eq, %select_n3A_135, %eq3A_136 : i32
      %select_n3A_138 = arith.constant 0 : i32
      %select_n3A_139 = arith.select %eq3A_137, %select_n3A_138, %select_n3A_135 : i32
      %add3A_140 = arith.constant 1 : i32
      %add3A_141 = arith.addi %select_n3A_110, %add3A_140 : i32
      %select_n3A_142 = arith.select %eq3A_137, %add3A_141, %select_n3A_110 : i32
      %eq3A_143 = arith.constant 16 : i32
      %eq3A_144 = arith.cmpi eq, %select_n3A_142, %eq3A_143 : i32
      %select_n3A_145 = arith.constant 0 : i32
      %select_n3A_146 = arith.select %eq3A_144, %select_n3A_145, %select_n3A_142 : i32
      %add3A_147 = arith.addi %select_n3A_146, %mul3A_6 : i32
      %add3A_148 = arith.constant 0 : i32
      %add3A_149 = arith.addi %select_n3A_139, %add3A_148 : i32
      %add3A_150 = arith.constant 1 : i32
      %add3A_151 = arith.addi %select_n3A_139, %add3A_150 : i32
      %select_n3A_152 = arith.constant true
      %select_n3A_153 = arith.select %select_n3A_152, %add3A_151, %select_n3A_139 : i32
      %eq3A_154 = arith.constant 8 : i32
      %eq3A_155 = arith.cmpi eq, %select_n3A_153, %eq3A_154 : i32
      %select_n3A_156 = arith.constant 0 : i32
      %select_n3A_157 = arith.select %eq3A_155, %select_n3A_156, %select_n3A_153 : i32
      %add3A_158 = arith.constant 1 : i32
      %add3A_159 = arith.addi %select_n3A_146, %add3A_158 : i32
      %select_n3A_160 = arith.select %eq3A_155, %add3A_159, %select_n3A_146 : i32
      %eq3A_161 = arith.constant 16 : i32
      %eq3A_162 = arith.cmpi eq, %select_n3A_160, %eq3A_161 : i32
      %select_n3A_163 = arith.constant 0 : i32
      %select_n3A_164 = arith.select %eq3A_162, %select_n3A_163, %select_n3A_160 : i32
      %add3A_165 = arith.addi %select_n3A_164, %mul3A_6 : i32
      %add3A_166 = arith.constant 0 : i32
      %add3A_167 = arith.addi %select_n3A_157, %add3A_166 : i32
      "tpu.trace_start"() <{level = 10 : i32, message = "ep_finalize"}> : () -> ()
      %rem3A_168 = arith.constant 2 : i32
      %rem3A_169 = arith.remui %scan3A_95#3, %rem3A_168 : i32
      %mul3A_170 = arith.constant 8 : i32
      %mul3A_171 = arith.muli %mul3A_170, %add3A_111 : i32
      %mul3A_172 = arith.constant 512 : i32
      %mul3A_173 = arith.muli %mul3A_172, %add3A_113 : i32
      %dma_wait3A = arith.constant 0 : i32
      %dma_wait3A_174 = arith.constant 0 : i32
      %dma_wait3A_175 = tpu.memref_slice %run_scoped3A_8[%rem3A_169, %dma_wait3A, %dma_wait3A_174] : memref<2x8x512xf32, #tpu.memory_space<vmem>> -> memref<1x8x512xf32, #tpu.memory_space<vmem>>
      %dma_wait3A_176 = tpu.memref_squeeze %dma_wait3A_175 : memref<1x8x512xf32, #tpu.memory_space<vmem>> -> memref<8x512xf32, #tpu.memory_space<vmem>>
      %dma_wait3A_177 = tpu.memref_slice %arg3[%mul3A_171, %mul3A_173] : memref<4096x4096xf32, #tpu.memory_space<hbm>> -> memref<8x512xf32, #tpu.memory_space<hbm>>
      %dma_wait3A_178 = tpu.memref_slice %run_scoped3A_9[%rem3A_169] : memref<2x!tpu.dma_semaphore, #tpu.memory_space<semaphore_mem>> -> memref<1x!tpu.dma_semaphore, #tpu.memory_space<semaphore_mem>>
      %dma_wait3A_179 = tpu.memref_squeeze %dma_wait3A_178 : memref<1x!tpu.dma_semaphore, #tpu.memory_space<semaphore_mem>> -> memref<!tpu.dma_semaphore, #tpu.memory_space<semaphore_mem>>
      %dma_wait3A_180 = tpu.memref_slice %arg3[%mul3A_171, %mul3A_173] : memref<4096x4096xf32, #tpu.memory_space<hbm>> -> memref<8x512xf32, #tpu.memory_space<hbm>>
      %dma_wait3A_181 = arith.constant 0 : i32
      %dma_wait3A_182 = arith.constant 0 : i32
      %dma_wait3A_183 = tpu.memref_slice %run_scoped3A_8[%rem3A_169, %dma_wait3A_181, %dma_wait3A_182] : memref<2x8x512xf32, #tpu.memory_space<vmem>> -> memref<1x8x512xf32, #tpu.memory_space<vmem>>
      %dma_wait3A_184 = tpu.memref_squeeze %dma_wait3A_183 : memref<1x8x512xf32, #tpu.memory_space<vmem>> -> memref<8x512xf32, #tpu.memory_space<vmem>>
      tpu.wait_dma2 semaphore(%dma_wait3A_179 : memref<!tpu.dma_semaphore, #tpu.memory_space<semaphore_mem>>) src(%dma_wait3A_184 : memref<8x512xf32, #tpu.memory_space<vmem>>) dst(%dma_wait3A_180 : memref<8x512xf32, #tpu.memory_space<hbm>>)
      "tpu.trace_stop"() : () -> ()
      tpu.yield
    }) : () -> ()
    return
  }
}

</mosaic_0001>

<sc_bundles>
// kernel: _sc_copy.3.cloned.1.call-start
scs
__scs_entry_jumppad:
0x0: {  	(pc) =	sbr.rel $0x88, $3  }
0x1: {  	(tag) =	ssettag $0x0;
	lr =	simm.s32 $0x1  }
0x2: {  	[smem:$0x3FA0] =	sst lr;
	_ =	strace $0xD0000000  }
0x3: {  	_ = 	snop  }
0x4: {  	_ = 	snop  }
0x5: {  	_ = 	snop  }
0x6: {  	_ = 	snop  }
0x7: {  	_ = 	snop  }
__scs_overlays_trampoline_lowered:
0x8: {  	[smem:$0x3FAF] =	sst s0  }
0x9: {  	[smem:$0x3FB0] =	sst s1  }
0xa: {  	[smem:$0x3FB1] =	sst s2  }
0xb: {  	[smem:$0x3FB2] =	sst s3  }
0xc: {  	[smem:$0x3FB3] =	sst s4  }
0xd: {  	[smem:$0x3FB4] =	sst s5  }
0xe: {  	[smem:$0x3FB5] =	sst s6  }
0xf: {  	[smem:$0x3FB6] =	sst s7  }
0x10: {  	[smem:$0x3FB7] =	sst s8  }
0x11: {  	[smem:$0x3FB8] =	sst s9;
	s0 =	simm.s32 @!p0 $0x0  }
0x12: {  	s1 =	sld [smem:$0x3F9E];
	s0 =	simm.s32 @p0 $0x1  }
0x13: {  	[smem:$0x3FB9] =	sst s0;
	s0 =	simm.s32 @!p1 $0x0  }
0x14: {  	s2 =	sld [smem:$0x3F9D];
	s0 =	simm.s32 @p1 $0x1  }
0x15: {  	[smem:$0x3FBA] =	sst s0;
	s0 =	simm.s32 @!p2 $0x0  }
0x16: {  	s3 =	sld [smem:$0x3FDB];
	s0 =	simm.s32 @p2 $0x1  }
0x17: {  	s4 =	simm.s32 $0x1BF5;
	[smem:$0x3FBC] =	sst s0  }
0x18: {  	s0 =	sld [smem:$0x3F9F];
	_ =	swait.ge [sflag:s4], $0x0  }
0x19: {  	s7 =	sld [smem:$0x3FA0]  }
0x1a: {  	s8 =	sadd.s32 $0xFFFFE003, lr  }
0x1b: {  	s9 =	sadd.s32 $0xFFFFFEF7, lr;
	s5 =	simm.s32 $0xFFFFFFFF;
	p2 =	slt.u32 s8, $0xFFFFF086  }
0x1c: {  	p1 =	slt.u32 s9, $0xF7A;
	s5 =	simm.s32 @!p2 $0x0  }
0x1d: {  	s5 =	simm.s32 @p1 $0x1;
	p0 =	seq.s32 s7, s2  }
0x1e: {  	s7 =	smul.u32 @!p0 $0xF7A, s2;
	p2 =	seq.s32 @!p0 s5, $0x0  }
0x1f: {  	s9 =	smul.u32 $0xF7A, s1;
	s8 =	simm.s32 @!p0 $0x1BF5;
	p2 =	por !p2, p0  }
0x20: {  	[sflag:s8] =	ssyncset.s32 @!p0 $0xFFFFF086;
	s6 =	sadd.s32 @!p0 s3, s7;
	s7 =	simm.s32 @!p0 $0x108  }
0x21: {  	s3 =	sadd.s32 s3, s9;
	s6 =	sadd.s32 @!p0 $0x88, s6;
	s7 =	simm.s32 @p2 $0x1082  }
0x22: {  	[simem:s7], [sflag:s8] =	dma.local @!p0 [hbm:s6], $0xF7A  }
0x23: {  	s9 =	sor.u32 $0xD0000000, s2;
	s6 =	simm.s32 $0x108;
	_ =	swait.ge @!p0 [sflag:s8], $0x0  }
0x24: {  	s3 =	sadd.s32 $0x88, s3;
	s6 =	simm.s32 @!p1 $0x1082;
	[sflag:s4] =	ssyncset.s32 $0xFFFFF086  }
0x25: {  	[simem:s6], [sflag:s4] =	dma.local [hbm:s3], $0xF7A  }
0x26: {  	[smem:$0x3FA0] =	sst s1;
	(tag) =	ssettag s2;
	_ =	strace s9  }
0x27: {  	s1 =	sld [smem:$0x3FB0]  }
0x28: {  	s2 =	sld [smem:$0x3FB1]  }
0x29: {  	s4 =	sld [smem:$0x3FB3]  }
0x2a: {  	p0 =	seq.s32 s5, $0x0;
	s5 =	sld [smem:$0x3FB4]  }
0x2b: {  	s6 =	sld [smem:$0x3FB5]  }
0x2c: {  	s7 =	sld [smem:$0x3FB6]  }
0x2d: {  	s3 =	simm.s32 $0x108;
	s8 =	sld [smem:$0x3FB7]  }
0x2e: {  	s3 =	simm.s32 @!p0 $0x1082;
	s9 =	sld [smem:$0x3FB8]  }
0x2f: {  	lr =	sadd.s32 s0, s3;
	s0 =	sld [smem:$0x3FAF]  }
0x30: {  	s3 =	sld [smem:$0x3FB2]  }
0x31: {  	[smem:$0x3FBB] =	sst s10  }
0x32: {  	s10 =	sld [smem:$0x3FB9];
	_ =	sdelay $0x3  }
0x33: {  	p0 =	seq.s32 s10, $0x1;
	s10 =	sld [smem:$0x3FBB];
	_ =	sdelay $0x3  }
0x34: {  	[smem:$0x3FBB] =	sst s10  }
0x35: {  	s10 =	sld [smem:$0x3FBA];
	_ =	sdelay $0x3  }
0x36: {  	p1 =	seq.s32 s10, $0x1;
	s10 =	sld [smem:$0x3FBB];
	_ =	sdelay $0x3  }
0x37: {  	[smem:$0x3FBB] =	sst s10  }
0x38: {  	s10 =	sld [smem:$0x3FBC]  }
0x39: {  	_ = 	snop;
	(pc) =	sbr.ind lr, $3  }
0x3a: {  	_ = 	snop  }
0x3b: {  	_ = 	snop  }
0x3c: {  	p2 =	seq.s32 s10, $0x1;
	s10 =	sld [smem:$0x3FBB]  }
0x3d: {  	_ =	shalt  }
0x3e: {  	_ =	shalt  }
0x3f: {  	_ =	shalt  }
0x40: {  	_ =	shalt  }
0x41: {  	_ =	shalt  }
0x42: {  	_ =	shalt  }
0x43: {  	_ =	shalt  }
0x44: {  	_ =	shalt  }
0x45: {  	_ =	shalt  }
0x46: {  	_ =	shalt  }
0x47: {  	_ =	shalt  }
0x48: {  	_ =	shalt  }
0x49: {  	_ =	shalt  }
0x4a: {  	_ =	shalt  }
0x4b: {  	_ =	shalt  }
0x4c: {  	_ =	shalt  }
0x4d: {  	_ =	shalt  }
0x4e: {  	_ =	shalt  }
0x4f: {  	_ =	shalt  }
0x50: {  	_ =	shalt  }
0x51: {  	_ =	shalt  }
0x52: {  	_ =	shalt  }
0x53: {  	_ =	shalt  }
0x54: {  	_ =	shalt  }
0x55: {  	_ =	shalt  }
0x56: {  	_ =	shalt  }
0x57: {  	_ =	shalt  }
0x58: {  	_ =	shalt  }
0x59: {  	_ =	shalt  }
0x5a: {  	_ =	shalt  }
0x5b: {  	_ =	shalt  }
0x5c: {  	_ =	shalt  }
0x5d: {  	_ =	shalt  }
0x5e: {  	_ =	shalt  }
0x5f: {  	_ =	shalt  }
0x60: {  	_ =	shalt  }
0x61: {  	_ =	shalt  }
0x62: {  	_ =	shalt  }
0x63: {  	_ =	shalt  }
0x64: {  	_ =	shalt  }
0x65: {  	_ =	shalt  }
0x66: {  	_ =	shalt  }
0x67: {  	_ =	shalt  }
0x68: {  	_ =	shalt  }
0x69: {  	_ =	shalt  }
0x6a: {  	_ =	shalt  }
0x6b: {  	_ =	shalt  }
0x6c: {  	_ =	shalt  }
0x6d: {  	_ =	shalt  }
0x6e: {  	_ =	shalt  }
0x6f: {  	_ =	shalt  }
0x70: {  	_ =	shalt  }
0x71: {  	_ =	shalt  }
0x72: {  	_ =	shalt  }
0x73: {  	_ =	shalt  }
0x74: {  	_ =	shalt  }
0x75: {  	_ =	shalt  }
0x76: {  	_ =	shalt  }
0x77: {  	_ =	shalt  }
0x78: {  	_ =	shalt  }
0x79: {  	_ =	shalt  }
0x7a: {  	_ =	shalt  }
0x7b: {  	_ =	shalt  }
0x7c: {  	_ =	shalt  }
0x7d: {  	_ =	shalt  }
0x7e: {  	_ =	shalt  }
0x7f: {  	_ =	shalt  }
0x80: {  	_ =	shalt  }
0x81: {  	_ =	shalt  }
0x82: {  	_ =	shalt  }
0x83: {  	_ =	shalt  }
0x84: {  	_ =	shalt  }
0x85: {  	_ =	shalt  }
0x86: {  	_ =	shalt  }
0x87: {  	_ =	shalt  }
.Lfunc_end0:
.L_simem_size_0:
called_computation_lowered:
.L_overlay_start_0:
0x88: {  	s2 =	sld [smem:$0x3FD9]  }
0x89: {  	s3 =	sld [smem:$0x3FFE];
	_ =	sdelay $0x1  }
0x8a: {  	s1 =	srdreg.scid  }
0x8b: {  	s0 =	sand.u32 $0x1, s1  }
0x8c: {  	s18 =	sshll.u32 s0, $0xA;
	s2 =	sadd.s32 s3, s2  }
0x8d: {  	s2 =	sadd.s32 s2, s18  }
0x8e: {  	[smem:$0x3FC7] =	sst s2  }
0x8f: {  	_ = 	snop  }
0x90: {  	s2 =	sld [smem:$0x3FC9]  }
0x91: {  	s19 =	sld [smem:$0x3FD0];
	(tm) =	ssettm $0x1  }
0x92: {  	s4 =	sld [smem:$0x3FFB];
	_ =	sdelay $0x3  }
0x93: {  	_ =	strace s4  }
0x94: {  	s4 =	sld [smem:$0x3FFC];
	_ =	sdelay $0x3  }
0x95: {  	_ =	strace s4  }
0x96: {  	s4 =	sld [smem:$0x3FFD];
	_ =	sdelay $0x3  }
0x97: {  	_ =	strace s4  }
0x98: {  	_ =	strace $0x8FFFFFFF  }
0x99: {  	s20 =	sld [smem:$0x3FDB];
	_ =	sdelay $0x1  }
0x9a: {  	s5 =	simm.s32 $_scs_section_size  }
0x9b: {  	s6 =	simm.s32 $_size__tile_overlayer_lowered;
	s7 =	simm.s32 $_tile_overlayer_lowered  }
0x9c: {  	s23 =	simm.s32 $0x1BFF;
	s22 =	sshll.u32 s7, $0x1;
	s4 =	sadd.s32 s5, s20  }
0x9d: {  	s8 =	simm.s32 $0x0;
	s21 =	sshll.u32 s6, $0x1;
	s6 =	sadd.s32 s22, s4  }
0x9e: {  	[timem:s8], [sflag:s23] =	dma.local [hbm:s6], s21  }
0x9f: {  	_ =	swait.ge [sflag:s23], s21  }
0xa0: {  	s5 =	ssub.s32 $0x0, s21;
	[sflag:s23] =	ssyncset.done $0x0  }
0xa1: {  	[sflag:s23] =	ssyncadd.s32 s5;
	_ =	sdelay $0x1  }
0xa2: {  	s24 =	simm.s32 $0x1B8B  }
0xa3: {  	_ =	swait.ge [sflag:s24], $0x1  }
0xa4: {  	[sflag:s24] =	ssyncset.done $0x0  }
0xa5: {  	s25 =	simm.s32 $0x1B8E;
	[sflag:s24] =	ssyncadd.s32 $0xFFFFFFFF  }
0xa6: {  	s26 =	simm.s32 $execute0_lowered;
	[smem:$0x3FD2] =	sst s25  }
0xa7: {  	s5 =	sshll.u32 s26, $0x1;
	_ =	strace $0x80000046;
	[dreg:$0x1] =	wrdreg $0xFFFFFFFF  }
0xa8: {  	s28 =	simm.s32 $_size_execute0_lowered;
	s4 =	sadd.s32 s4, s5;
	[dreg:$0x0] =	wrdreg $0x0  }
0xa9: {  	s5 =	sshll.u32 s28, $0x1;
	[dreg:$0x2] =	wrdreg s4  }
0xaa: {  	[dreg:$0x3] =	wrdreg s5  }
0xab: {  	[dreg:$0x4] =	wrdreg $0xC0  }
0xac: {  	_ =	task [dreg:s8], $0x5FFFF  }
0xad: {  	[dreg:$0x1] =	wrdreg $0xFFFFFFFF  }
0xae: {  	[dreg:$0x0] =	wrdreg $0x60  }
0xaf: {  	[dreg:$0x2] =	wrdreg s2  }
0xb0: {  	[dreg:$0x3] =	wrdreg s19  }
0xb1: {  	[dreg:$0x4] =	wrdreg $0x9  }
0xb2: {  	_ =	task.clear_ibuf [dreg:s8], $0x5FFFF;
	_ =	strace $0x90000046  }
0xb3: {  	s29 =	simm.s32 $0x9;
	_ =	strace $0x8000004F  }
0xb4: {  	_ =	swait.ge [sflag:s29], $0x1  }
0xb5: {  	[sflag:s29] =	ssyncadd.s32 $0xFFFFFFFF  }
0xb6: {  	_ =	strace $0x9000004F  }
0xb7: {  	_ =	sfence  }
0xb8: {  	s30 =	sld [smem:$0x0];
	_ =	sdelay $0x2  }
0xb9: {  	s31 =	sshll.u32 s1, $0xD;
	s1 =	sshrl.u32 s1, $0x2  }
0xba: {  	s3 =	sand.u32 $0x4000, s31;
	s1 =	sadd.s32 s1, s30  }
0xbb: {  	s0 =	sor.u32 s3, s0;
	s1 =	sshll.u32 s1, $0x11  }
0xbc: {  	s0 =	sor.u32 s1, s0  }
0xbd: {  	s0 =	sadd.s32 $0x8F2B, s0  }
0xbe: {  	[sflag:s0] =	ssyncadd.remote.s32 $0x1  }
0xbf: {  	_ =	sfence.sel $0xFFFF  }
0xc0: {  	[dreg:$0x0] =	wrdreg $0xFFFFFFFF;
	(pc) =	sbr.abs _section_cstart, $3  }
0xc1: {  	[dreg:$0x1] =	wrdreg $0xFFFFFFFF  }
0xc2: {  	_ =	task.clear_ibuf [dreg:s8], $0x2FFFF;
	_ =	strace $0x9FFFFFFF  }
0xc3: {  	(tm) =	ssettm $0x7FFFFFFF  }
tec
execute0_lowered:
.L_overlay_start_1:
0x0: {  	(tag) =	ssettag $0x1  }
0x1: {  	s1 =	rddreg [dreg:$0x0]  }
0x2: {  	s0 =	rddreg [dreg:$0x1]  }
0x3: {  	[dreg:$0x3] =	wrdreg s0  }
0x4: {  	s3 =	simm.s32 $0x0;
	s2 =	srdreg.scid;
	s0 =	rddreg [dreg:$0x2]  }
0x5: {  	[smem:$0x7FF] =	sst s3;
	s4 =	sand.u32 $0x1, s2  }
0x6: {  	s2 =	stileid.u32;
	s5 =	ssub.s32 $0x2, s4;
	s4 =	sshll.u32 s4, $0x4  }
0x7: {  	_ =	strace $0x80000047;
	s6 =	sshrl.u32 s5, $0x1;
	s7 =	sor.u32 s2, s4  }
0x8: {  	s6 =	ssub.s32 s5, s6;
	s4 =	sshll.u32 s7, $0x4;
	s31 =	sshll.u32 s7, $0x10  }
0x9: {  	s7 =	simm.s32 $0x0;
	s5 =	sadd.s32 s1, s31;
	s6 =	smax.u32 s6, $0x1  }
.LBB2_1:
0xa: {  	_ =	strace $0x80000048;
	s8 =	simm.s32 $0x80;
	s10 =	simm.s32 $0x0  }
0xb: {  	s11 =	simm.s32 $0x0;
	s9 =	simm.s32 $0x0;
	s12 =	simm.s32 $0x0  }
0xc: {  	[tilespmem:s3], [sflag:$0x1] =	stream.linear.gather [hbm4b:s5+s3], $0x1000, $0x200038;
	[tilespmem:$0x4000] =	vst v63  }
0xd: {  	s13 =	simm.s32 $0x0;
	s14 =	simm.s32 $0x1;
	_ =	strace $0x90000048  }
.LBB2_2:
0xe: {  	s15 =	smov.u32 s10;
	s10 =	sadd.s32 $0x1, s10  }
0xf: {  	s17 =	simm.s32 $0x1;
	p0 =	seq.s32 s10, $0x8  }
0x10: {  	s17 =	simm.s32 @!p0 $0x0  }
0x11: {  	s16 =	smov.u32 s11;
	s11 =	sadd.s32 s17, s11  }
0x12: {  	p1 =	seq.s32 s11, $0x10  }
0x13: {  	s10 =	simm.s32 @p0 $0x0;
	s11 =	simm.s32 @p1 $0x0  }
0x14: {  	p5 =	sne.s32 s15, s10;
	p4 =	sne.s32 s16, s11  }
0x15: {  	p6 =	sne.s32 s8, $0x1;
	p1 =	por p5, p4  }
0x16: {  	p0 =	por !p6, !p1  }
0x17: {  	p0 =	por !p0, !p0  }
0x18: {  	s17 =	sadd.s32 @p0 s4, s11  }
0x19: {  	s18 =	sshll.u32 @p0 s10, $0xC;
	s17 =	sshll.u32 @p0 s17, $0xF  }
0x1a: {  	_ =	strace @p0 $0x80000049;
	s17 =	sadd.s32 @p0 s18, s17  }
0x1b: {  	s20 =	simm.s32 @p0 $0x0;
	s18 =	sand.u32 @p0 $0x1, s14;
	s17 =	sshrl.u32 @p0 s17, $0x3  }
0x1c: {  	s19 =	sshll.u32 @p0 s18, $0xC;
	s18 =	sadd.s32 @p0 $0x1, s18;
	s17 =	sadd.s32 @p0 s1, s17  }
0x1d: {  	[tilespmem:s19], [sflag:s18] =	stream.linear.gather @p0 [hbm4b:s17+s20], $0x1000, $0x200038;
	[tilespmem:$0x4000] =	vst v63  }
0x1e: {  	s28 =	sand.u32 $0x1, s13;
	_ =	strace @p0 $0x90000049  }
0x1f: {  	s17 =	sadd.s32 $0x1, s28;
	_ =	strace $0x8000004A  }
0x20: {  	_ =	swait.ge [sflag:s17], $0x1000  }
0x21: {  	[sflag:s17] =	ssyncset.done $0x0  }
0x22: {  	[sflag:s17] =	ssyncadd.s32 $0xFFFFF000  }
0x23: {  	s29 =	sshll.u32 s13, $0xC;
	_ =	strace $0x9000004A  }
0x24: {  	s30 =	sand.u32 $0x1000, s29;
	_ =	strace $0x8000004B  }
0x25: {  	v0 =	vld [tilespmem:s30+$0x0]  }
0x26: {  	v1 =	vld [tilespmem:s30+$0x10]  }
0x27: {  	v2 =	vld [tilespmem:s30+$0x20]  }
0x28: {  	v3 =	vld [tilespmem:s30+$0x30]  }
0x29: {  	v4 =	vld [tilespmem:s30+$0x40]  }
0x2a: {  	v5 =	vld [tilespmem:s30+$0x50]  }
0x2b: {  	v6 =	vld [tilespmem:s30+$0x60]  }
0x2c: {  	v7 =	vld [tilespmem:s30+$0x70]  }
0x2d: {  	v8 =	vld [tilespmem:s30+$0x400]  }
0x2e: {  	v9 =	vld [tilespmem:s30+$0x410]  }
0x2f: {  	v10 =	vld [tilespmem:s30+$0x420]  }
0x30: {  	v11 =	vld [tilespmem:s30+$0x430]  }
0x31: {  	v12 =	vld [tilespmem:s30+$0x440]  }
0x32: {  	v13 =	vld [tilespmem:s30+$0x450]  }
0x33: {  	s17 =	sand.u32 $0x1, s12;
	v14 =	vld [tilespmem:s30+$0x460]  }
0x34: {  	s31 =	sshll.u32 s17, $0xC;
	v15 =	vld [tilespmem:s30+$0x470]  }
0x35: {  	v16 =	vld [tilespmem:s30+$0x800];
	[tilespmem:s31+$0x2000] =	vst v0  }
0x36: {  	[tilespmem:s31+$0x2010] =	vst v1  }
0x37: {  	[tilespmem:s31+$0x2020] =	vst v2  }
0x38: {  	[tilespmem:s31+$0x2030] =	vst v3  }
0x39: {  	[tilespmem:s31+$0x2040] =	vst v4  }
0x3a: {  	[tilespmem:s31+$0x2050] =	vst v5  }
0x3b: {  	[tilespmem:s31+$0x2060] =	vst v6  }
0x3c: {  	[tilespmem:s31+$0x2070] =	vst v7  }
0x3d: {  	[tilespmem:s31+$0x2400] =	vst v8  }
0x3e: {  	[tilespmem:s31+$0x2410] =	vst v9  }
0x3f: {  	[tilespmem:s31+$0x2420] =	vst v10  }
0x40: {  	[tilespmem:s31+$0x2430] =	vst v11  }
0x41: {  	v49 =	vld [tilespmem:s30+$0x810];
	[tilespmem:s31+$0x2440] =	vst v12  }
0x42: {  	v50 =	vld [tilespmem:s30+$0x820];
	[tilespmem:s31+$0x2450] =	vst v13  }
0x43: {  	v51 =	vld [tilespmem:s30+$0x830];
	[tilespmem:s31+$0x2460] =	vst v14  }
0x44: {  	v52 =	vld [tilespmem:s30+$0x840];
	[tilespmem:s31+$0x2470] =	vst v15  }
0x45: {  	v53 =	vld [tilespmem:s30+$0x850];
	[tilespmem:s31+$0x2800] =	vst v16  }
0x46: {  	v54 =	vld [tilespmem:s30+$0x860];
	[tilespmem:s31+$0x2810] =	vst v49  }
0x47: {  	v55 =	vld [tilespmem:s30+$0x870];
	[tilespmem:s31+$0x2820] =	vst v50  }
0x48: {  	v56 =	vld [tilespmem:s30+$0xC00];
	[tilespmem:s31+$0x2830] =	vst v51  }
0x49: {  	v57 =	vld [tilespmem:s30+$0xC10];
	[tilespmem:s31+$0x2840] =	vst v52  }
0x4a: {  	v58 =	vld [tilespmem:s30+$0xC20];
	[tilespmem:s31+$0x2850] =	vst v53  }
0x4b: {  	v59 =	vld [tilespmem:s30+$0xC30];
	[tilespmem:s31+$0x2860] =	vst v54  }
0x4c: {  	v60 =	vld [tilespmem:s30+$0xC40];
	[tilespmem:s31+$0x2870] =	vst v55  }
0x4d: {  	v61 =	vld [tilespmem:s30+$0xC50];
	[tilespmem:s31+$0x2C00] =	vst v56  }
0x4e: {  	v62 =	vld [tilespmem:s30+$0xC60];
	[tilespmem:s31+$0x2C10] =	vst v57  }
0x4f: {  	v63 =	vld [tilespmem:s30+$0xC70];
	[tilespmem:s31+$0x2C20] =	vst v58  }
0x50: {  	v17 =	vld [tilespmem:s30+$0x490];
	[tilespmem:s31+$0x2C30] =	vst v59  }
0x51: {  	v18 =	vld [tilespmem:s30+$0x4A0];
	[tilespmem:s31+$0x2C40] =	vst v60  }
0x52: {  	v19 =	vld [tilespmem:s30+$0x4B0];
	[tilespmem:s31+$0x2C50] =	vst v61  }
0x53: {  	v20 =	vld [tilespmem:s30+$0x4C0];
	[tilespmem:s31+$0x2C60] =	vst v62  }
0x54: {  	v21 =	vld [tilespmem:s30+$0x4D0];
	[tilespmem:s31+$0x2C70] =	vst v63  }
0x55: {  	v22 =	vld [tilespmem:s30+$0x4E0];
	[tilespmem:s31+$0x2490] =	vst v17  }
0x56: {  	v23 =	vld [tilespmem:s30+$0x4F0];
	[tilespmem:s31+$0x24A0] =	vst v18  }
0x57: {  	v24 =	vld [tilespmem:s30+$0x880];
	[tilespmem:s31+$0x24B0] =	vst v19  }
0x58: {  	v25 =	vld [tilespmem:s30+$0x890];
	[tilespmem:s31+$0x24C0] =	vst v20  }
0x59: {  	v26 =	vld [tilespmem:s30+$0x8A0];
	[tilespmem:s31+$0x24D0] =	vst v21  }
0x5a: {  	v27 =	vld [tilespmem:s30+$0x8B0];
	[tilespmem:s31+$0x24E0] =	vst v22  }
0x5b: {  	v28 =	vld [tilespmem:s30+$0x8C0];
	[tilespmem:s31+$0x24F0] =	vst v23  }
0x5c: {  	v29 =	vld [tilespmem:s30+$0x8D0];
	[tilespmem:s31+$0x2880] =	vst v24  }
0x5d: {  	v30 =	vld [tilespmem:s30+$0x8E0];
	[tilespmem:s31+$0x2890] =	vst v25  }
0x5e: {  	v31 =	vld [tilespmem:s30+$0x8F0];
	[tilespmem:s31+$0x28A0] =	vst v26  }
0x5f: {  	v32 =	vld [tilespmem:s30+$0xC80];
	[tilespmem:s31+$0x28B0] =	vst v27  }
0x60: {  	v33 =	vld [tilespmem:s30+$0xC90];
	[tilespmem:s31+$0x28C0] =	vst v28  }
0x61: {  	v34 =	vld [tilespmem:s30+$0xCA0];
	[tilespmem:s31+$0x28D0] =	vst v29  }
0x62: {  	v35 =	vld [tilespmem:s30+$0xCB0];
	[tilespmem:s31+$0x28E0] =	vst v30  }
0x63: {  	v36 =	vld [tilespmem:s30+$0xCC0];
	[tilespmem:s31+$0x28F0] =	vst v31  }
0x64: {  	v37 =	vld [tilespmem:s30+$0xCD0];
	[tilespmem:s31+$0x2C80] =	vst v32  }
0x65: {  	v38 =	vld [tilespmem:s30+$0xCE0];
	[tilespmem:s31+$0x2C90] =	vst v33  }
0x66: {  	v39 =	vld [tilespmem:s30+$0xCF0];
	[tilespmem:s31+$0x2CA0] =	vst v34  }
0x67: {  	v40 =	vld [tilespmem:s30+$0x100];
	[tilespmem:s31+$0x2CB0] =	vst v35  }
0x68: {  	v41 =	vld [tilespmem:s30+$0x110];
	[tilespmem:s31+$0x2CC0] =	vst v36  }
0x69: {  	v42 =	vld [tilespmem:s30+$0x120];
	[tilespmem:s31+$0x2CD0] =	vst v37  }
0x6a: {  	v43 =	vld [tilespmem:s30+$0x130];
	[tilespmem:s31+$0x2CE0] =	vst v38  }
0x6b: {  	v44 =	vld [tilespmem:s30+$0x140];
	[tilespmem:s31+$0x2CF0] =	vst v39  }
0x6c: {  	v45 =	vld [tilespmem:s30+$0x150];
	[tilespmem:s31+$0x2100] =	vst v40  }
0x6d: {  	v46 =	vld [tilespmem:s30+$0x160];
	[tilespmem:s31+$0x2110] =	vst v41  }
0x6e: {  	v47 =	vld [tilespmem:s30+$0x170];
	[tilespmem:s31+$0x2120] =	vst v42  }
0x6f: {  	v48 =	vld [tilespmem:s30+$0x500];
	[tilespmem:s31+$0x2130] =	vst v43  }
0x70: {  	v8 =	vld [tilespmem:s30+$0x80];
	[tilespmem:s31+$0x2140] =	vst v44  }
0x71: {  	v9 =	vld [tilespmem:s30+$0x90];
	[tilespmem:s31+$0x2150] =	vst v45  }
0x72: {  	v10 =	vld [tilespmem:s30+$0xA0];
	[tilespmem:s31+$0x2160] =	vst v46  }
0x73: {  	v11 =	vld [tilespmem:s30+$0xB0];
	[tilespmem:s31+$0x2170] =	vst v47  }
0x74: {  	v12 =	vld [tilespmem:s30+$0xC0];
	[tilespmem:s31+$0x2500] =	vst v48  }
0x75: {  	v13 =	vld [tilespmem:s30+$0xD0];
	[tilespmem:s31+$0x2080] =	vst v8  }
0x76: {  	v14 =	vld [tilespmem:s30+$0xE0];
	[tilespmem:s31+$0x2090] =	vst v9  }
0x77: {  	v15 =	vld [tilespmem:s30+$0xF0];
	[tilespmem:s31+$0x20A0] =	vst v10  }
0x78: {  	v16 =	vld [tilespmem:s30+$0x480];
	[tilespmem:s31+$0x20B0] =	vst v11  }
0x79: {  	v49 =	vld [tilespmem:s30+$0x510];
	[tilespmem:s31+$0x20C0] =	vst v12  }
0x7a: {  	v50 =	vld [tilespmem:s30+$0x520];
	[tilespmem:s31+$0x20D0] =	vst v13  }
0x7b: {  	v51 =	vld [tilespmem:s30+$0x530];
	[tilespmem:s31+$0x20E0] =	vst v14  }
0x7c: {  	v52 =	vld [tilespmem:s30+$0x540];
	[tilespmem:s31+$0x20F0] =	vst v15  }
0x7d: {  	v53 =	vld [tilespmem:s30+$0x550];
	[tilespmem:s31+$0x2480] =	vst v16  }
0x7e: {  	v54 =	vld [tilespmem:s30+$0x560];
	[tilespmem:s31+$0x2510] =	vst v49  }
0x7f: {  	v55 =	vld [tilespmem:s30+$0x570];
	[tilespmem:s31+$0x2520] =	vst v50  }
0x80: {  	v56 =	vld [tilespmem:s30+$0x900];
	[tilespmem:s31+$0x2530] =	vst v51  }
0x81: {  	v57 =	vld [tilespmem:s30+$0x910];
	[tilespmem:s31+$0x2540] =	vst v52  }
0x82: {  	v58 =	vld [tilespmem:s30+$0x920];
	[tilespmem:s31+$0x2550] =	vst v53  }
0x83: {  	v59 =	vld [tilespmem:s30+$0x930];
	[tilespmem:s31+$0x2560] =	vst v54  }
0x84: {  	v60 =	vld [tilespmem:s30+$0x940];
	[tilespmem:s31+$0x2570] =	vst v55  }
0x85: {  	v61 =	vld [tilespmem:s30+$0x950];
	[tilespmem:s31+$0x2900] =	vst v56  }
0x86: {  	v62 =	vld [tilespmem:s30+$0x960];
	[tilespmem:s31+$0x2910] =	vst v57  }
0x87: {  	v63 =	vld [tilespmem:s30+$0x970];
	[tilespmem:s31+$0x2920] =	vst v58  }
0x88: {  	v17 =	vld [tilespmem:s30+$0x190];
	[tilespmem:s31+$0x2930] =	vst v59  }
0x89: {  	v18 =	vld [tilespmem:s30+$0x1A0];
	[tilespmem:s31+$0x2940] =	vst v60  }
0x8a: {  	v19 =	vld [tilespmem:s30+$0x1B0];
	[tilespmem:s31+$0x2950] =	vst v61  }
0x8b: {  	v20 =	vld [tilespmem:s30+$0x1C0];
	[tilespmem:s31+$0x2960] =	vst v62  }
0x8c: {  	v21 =	vld [tilespmem:s30+$0x1D0];
	[tilespmem:s31+$0x2970] =	vst v63  }
0x8d: {  	v22 =	vld [tilespmem:s30+$0x1E0];
	[tilespmem:s31+$0x2190] =	vst v17  }
0x8e: {  	v23 =	vld [tilespmem:s30+$0x1F0];
	[tilespmem:s31+$0x21A0] =	vst v18  }
0x8f: {  	v24 =	vld [tilespmem:s30+$0x580];
	[tilespmem:s31+$0x21B0] =	vst v19  }
0x90: {  	v25 =	vld [tilespmem:s30+$0x590];
	[tilespmem:s31+$0x21C0] =	vst v20  }
0x91: {  	v26 =	vld [tilespmem:s30+$0x5A0];
	[tilespmem:s31+$0x21D0] =	vst v21  }
0x92: {  	v27 =	vld [tilespmem:s30+$0x5B0];
	[tilespmem:s31+$0x21E0] =	vst v22  }
0x93: {  	v28 =	vld [tilespmem:s30+$0x5C0];
	[tilespmem:s31+$0x21F0] =	vst v23  }
0x94: {  	v29 =	vld [tilespmem:s30+$0x5D0];
	[tilespmem:s31+$0x2580] =	vst v24  }
0x95: {  	v30 =	vld [tilespmem:s30+$0x5E0];
	[tilespmem:s31+$0x2590] =	vst v25  }
0x96: {  	v31 =	vld [tilespmem:s30+$0x5F0];
	[tilespmem:s31+$0x25A0] =	vst v26  }
0x97: {  	v32 =	vld [tilespmem:s30+$0x980];
	[tilespmem:s31+$0x25B0] =	vst v27  }
0x98: {  	v33 =	vld [tilespmem:s30+$0x990];
	[tilespmem:s31+$0x25C0] =	vst v28  }
0x99: {  	v34 =	vld [tilespmem:s30+$0x9A0];
	[tilespmem:s31+$0x25D0] =	vst v29  }
0x9a: {  	v35 =	vld [tilespmem:s30+$0x9B0];
	[tilespmem:s31+$0x25E0] =	vst v30  }
0x9b: {  	v36 =	vld [tilespmem:s30+$0x9C0];
	[tilespmem:s31+$0x25F0] =	vst v31  }
0x9c: {  	v37 =	vld [tilespmem:s30+$0x9D0];
	[tilespmem:s31+$0x2980] =	vst v32  }
0x9d: {  	v38 =	vld [tilespmem:s30+$0x9E0];
	[tilespmem:s31+$0x2990] =	vst v33  }
0x9e: {  	v39 =	vld [tilespmem:s30+$0x9F0];
	[tilespmem:s31+$0x29A0] =	vst v34  }
0x9f: {  	v40 =	vld [tilespmem:s30+$0xD80];
	[tilespmem:s31+$0x29B0] =	vst v35  }
0xa0: {  	v41 =	vld [tilespmem:s30+$0xD90];
	[tilespmem:s31+$0x29C0] =	vst v36  }
0xa1: {  	v42 =	vld [tilespmem:s30+$0xDA0];
	[tilespmem:s31+$0x29D0] =	vst v37  }
0xa2: {  	v43 =	vld [tilespmem:s30+$0xDB0];
	[tilespmem:s31+$0x29E0] =	vst v38  }
0xa3: {  	v44 =	vld [tilespmem:s30+$0xDC0];
	[tilespmem:s31+$0x29F0] =	vst v39  }
0xa4: {  	v45 =	vld [tilespmem:s30+$0xDD0];
	[tilespmem:s31+$0x2D80] =	vst v40  }
0xa5: {  	v46 =	vld [tilespmem:s30+$0xDE0];
	[tilespmem:s31+$0x2D90] =	vst v41  }
0xa6: {  	v47 =	vld [tilespmem:s30+$0xDF0];
	[tilespmem:s31+$0x2DA0] =	vst v42  }
0xa7: {  	v48 =	vld [tilespmem:s30+$0x200];
	[tilespmem:s31+$0x2DB0] =	vst v43  }
0xa8: {  	v8 =	vld [tilespmem:s30+$0xD00];
	[tilespmem:s31+$0x2DC0] =	vst v44  }
0xa9: {  	v9 =	vld [tilespmem:s30+$0xD10];
	[tilespmem:s31+$0x2DD0] =	vst v45  }
0xaa: {  	v10 =	vld [tilespmem:s30+$0xD20];
	[tilespmem:s31+$0x2DE0] =	vst v46  }
0xab: {  	v11 =	vld [tilespmem:s30+$0xD30];
	[tilespmem:s31+$0x2DF0] =	vst v47  }
0xac: {  	v12 =	vld [tilespmem:s30+$0xD40];
	[tilespmem:s31+$0x2200] =	vst v48  }
0xad: {  	v13 =	vld [tilespmem:s30+$0xD50];
	[tilespmem:s31+$0x2D00] =	vst v8  }
0xae: {  	v14 =	vld [tilespmem:s30+$0xD60];
	[tilespmem:s31+$0x2D10] =	vst v9  }
0xaf: {  	v15 =	vld [tilespmem:s30+$0xD70];
	[tilespmem:s31+$0x2D20] =	vst v10  }
0xb0: {  	v16 =	vld [tilespmem:s30+$0x180];
	[tilespmem:s31+$0x2D30] =	vst v11  }
0xb1: {  	v49 =	vld [tilespmem:s30+$0x210];
	[tilespmem:s31+$0x2D40] =	vst v12  }
0xb2: {  	v50 =	vld [tilespmem:s30+$0x220];
	[tilespmem:s31+$0x2D50] =	vst v13  }
0xb3: {  	v51 =	vld [tilespmem:s30+$0x230];
	[tilespmem:s31+$0x2D60] =	vst v14  }
0xb4: {  	v52 =	vld [tilespmem:s30+$0x240];
	[tilespmem:s31+$0x2D70] =	vst v15  }
0xb5: {  	v53 =	vld [tilespmem:s30+$0x250];
	[tilespmem:s31+$0x2180] =	vst v16  }
0xb6: {  	v54 =	vld [tilespmem:s30+$0x260];
	[tilespmem:s31+$0x2210] =	vst v49  }
0xb7: {  	v55 =	vld [tilespmem:s30+$0x270];
	[tilespmem:s31+$0x2220] =	vst v50  }
0xb8: {  	v56 =	vld [tilespmem:s30+$0x600];
	[tilespmem:s31+$0x2230] =	vst v51  }
0xb9: {  	v57 =	vld [tilespmem:s30+$0x610];
	[tilespmem:s31+$0x2240] =	vst v52  }
0xba: {  	v58 =	vld [tilespmem:s30+$0x620];
	[tilespmem:s31+$0x2250] =	vst v53  }
0xbb: {  	v59 =	vld [tilespmem:s30+$0x630];
	[tilespmem:s31+$0x2260] =	vst v54  }
0xbc: {  	v60 =	vld [tilespmem:s30+$0x640];
	[tilespmem:s31+$0x2270] =	vst v55  }
0xbd: {  	v61 =	vld [tilespmem:s30+$0x650];
	[tilespmem:s31+$0x2600] =	vst v56  }
0xbe: {  	v62 =	vld [tilespmem:s30+$0x660];
	[tilespmem:s31+$0x2610] =	vst v57  }
0xbf: {  	v63 =	vld [tilespmem:s30+$0x670];
	[tilespmem:s31+$0x2620] =	vst v58  }
0xc0: {  	v17 =	vld [tilespmem:s30+$0xE10];
	[tilespmem:s31+$0x2630] =	vst v59  }
0xc1: {  	v18 =	vld [tilespmem:s30+$0xE20];
	[tilespmem:s31+$0x2640] =	vst v60  }
0xc2: {  	v19 =	vld [tilespmem:s30+$0xE30];
	[tilespmem:s31+$0x2650] =	vst v61  }
0xc3: {  	v20 =	vld [tilespmem:s30+$0xE40];
	[tilespmem:s31+$0x2660] =	vst v62  }
0xc4: {  	v21 =	vld [tilespmem:s30+$0xE50];
	[tilespmem:s31+$0x2670] =	vst v63  }
0xc5: {  	v22 =	vld [tilespmem:s30+$0xE60];
	[tilespmem:s31+$0x2E10] =	vst v17  }
0xc6: {  	v23 =	vld [tilespmem:s30+$0xE70];
	[tilespmem:s31+$0x2E20] =	vst v18  }
0xc7: {  	v24 =	vld [tilespmem:s30+$0x280];
	[tilespmem:s31+$0x2E30] =	vst v19  }
0xc8: {  	v25 =	vld [tilespmem:s30+$0x290];
	[tilespmem:s31+$0x2E40] =	vst v20  }
0xc9: {  	v26 =	vld [tilespmem:s30+$0x2A0];
	[tilespmem:s31+$0x2E50] =	vst v21  }
0xca: {  	v27 =	vld [tilespmem:s30+$0x2B0];
	[tilespmem:s31+$0x2E60] =	vst v22  }
0xcb: {  	v28 =	vld [tilespmem:s30+$0x2C0];
	[tilespmem:s31+$0x2E70] =	vst v23  }
0xcc: {  	v29 =	vld [tilespmem:s30+$0x2D0];
	[tilespmem:s31+$0x2280] =	vst v24  }
0xcd: {  	v30 =	vld [tilespmem:s30+$0x2E0];
	[tilespmem:s31+$0x2290] =	vst v25  }
0xce: {  	v31 =	vld [tilespmem:s30+$0x2F0];
	[tilespmem:s31+$0x22A0] =	vst v26  }
0xcf: {  	v32 =	vld [tilespmem:s30+$0x680];
	[tilespmem:s31+$0x22B0] =	vst v27  }
0xd0: {  	v33 =	vld [tilespmem:s30+$0x690];
	[tilespmem:s31+$0x22C0] =	vst v28  }
0xd1: {  	v34 =	vld [tilespmem:s30+$0x6A0];
	[tilespmem:s31+$0x22D0] =	vst v29  }
0xd2: {  	v35 =	vld [tilespmem:s30+$0x6B0];
	[tilespmem:s31+$0x22E0] =	vst v30  }
0xd3: {  	v36 =	vld [tilespmem:s30+$0x6C0];
	[tilespmem:s31+$0x22F0] =	vst v31  }
0xd4: {  	v37 =	vld [tilespmem:s30+$0x6D0];
	[tilespmem:s31+$0x2680] =	vst v32  }
0xd5: {  	v38 =	vld [tilespmem:s30+$0x6E0];
	[tilespmem:s31+$0x2690] =	vst v33  }
0xd6: {  	v39 =	vld [tilespmem:s30+$0x6F0];
	[tilespmem:s31+$0x26A0] =	vst v34  }
0xd7: {  	v40 =	vld [tilespmem:s30+$0xA80];
	[tilespmem:s31+$0x26B0] =	vst v35  }
0xd8: {  	v41 =	vld [tilespmem:s30+$0xA90];
	[tilespmem:s31+$0x26C0] =	vst v36  }
0xd9: {  	v42 =	vld [tilespmem:s30+$0xAA0];
	[tilespmem:s31+$0x26D0] =	vst v37  }
0xda: {  	v43 =	vld [tilespmem:s30+$0xAB0];
	[tilespmem:s31+$0x26E0] =	vst v38  }
0xdb: {  	v44 =	vld [tilespmem:s30+$0xAC0];
	[tilespmem:s31+$0x26F0] =	vst v39  }
0xdc: {  	v45 =	vld [tilespmem:s30+$0xAD0];
	[tilespmem:s31+$0x2A80] =	vst v40  }
0xdd: {  	v46 =	vld [tilespmem:s30+$0xAE0];
	[tilespmem:s31+$0x2A90] =	vst v41  }
0xde: {  	v47 =	vld [tilespmem:s30+$0xAF0];
	[tilespmem:s31+$0x2AA0] =	vst v42  }
0xdf: {  	v48 =	vld [tilespmem:s30+$0xE80];
	[tilespmem:s31+$0x2AB0] =	vst v43  }
0xe0: {  	v8 =	vld [tilespmem:s30+$0xA00];
	[tilespmem:s31+$0x2AC0] =	vst v44  }
0xe1: {  	v9 =	vld [tilespmem:s30+$0xA10];
	[tilespmem:s31+$0x2AD0] =	vst v45  }
0xe2: {  	v10 =	vld [tilespmem:s30+$0xA20];
	[tilespmem:s31+$0x2AE0] =	vst v46  }
0xe3: {  	v11 =	vld [tilespmem:s30+$0xA30];
	[tilespmem:s31+$0x2AF0] =	vst v47  }
0xe4: {  	v12 =	vld [tilespmem:s30+$0xA40];
	[tilespmem:s31+$0x2E80] =	vst v48  }
0xe5: {  	v13 =	vld [tilespmem:s30+$0xA50];
	[tilespmem:s31+$0x2A00] =	vst v8  }
0xe6: {  	v14 =	vld [tilespmem:s30+$0xA60];
	[tilespmem:s31+$0x2A10] =	vst v9  }
0xe7: {  	v15 =	vld [tilespmem:s30+$0xA70];
	[tilespmem:s31+$0x2A20] =	vst v10  }
0xe8: {  	v16 =	vld [tilespmem:s30+$0xE00];
	[tilespmem:s31+$0x2A30] =	vst v11  }
0xe9: {  	v49 =	vld [tilespmem:s30+$0xE90];
	[tilespmem:s31+$0x2A40] =	vst v12  }
0xea: {  	v50 =	vld [tilespmem:s30+$0xEA0];
	[tilespmem:s31+$0x2A50] =	vst v13  }
0xeb: {  	v51 =	vld [tilespmem:s30+$0xEB0];
	[tilespmem:s31+$0x2A60] =	vst v14  }
0xec: {  	v52 =	vld [tilespmem:s30+$0xEC0];
	[tilespmem:s31+$0x2A70] =	vst v15  }
0xed: {  	v53 =	vld [tilespmem:s30+$0xED0];
	[tilespmem:s31+$0x2E00] =	vst v16  }
0xee: {  	v54 =	vld [tilespmem:s30+$0xEE0];
	[tilespmem:s31+$0x2E90] =	vst v49  }
0xef: {  	v55 =	vld [tilespmem:s30+$0xEF0];
	[tilespmem:s31+$0x2EA0] =	vst v50  }
0xf0: {  	v56 =	vld [tilespmem:s30+$0x300];
	[tilespmem:s31+$0x2EB0] =	vst v51  }
0xf1: {  	v57 =	vld [tilespmem:s30+$0x310];
	[tilespmem:s31+$0x2EC0] =	vst v52  }
0xf2: {  	v58 =	vld [tilespmem:s30+$0x320];
	[tilespmem:s31+$0x2ED0] =	vst v53  }
0xf3: {  	v59 =	vld [tilespmem:s30+$0x330];
	[tilespmem:s31+$0x2EE0] =	vst v54  }
0xf4: {  	v60 =	vld [tilespmem:s30+$0x340];
	[tilespmem:s31+$0x2EF0] =	vst v55  }
0xf5: {  	v61 =	vld [tilespmem:s30+$0x350];
	[tilespmem:s31+$0x2300] =	vst v56  }
0xf6: {  	v62 =	vld [tilespmem:s30+$0x360];
	[tilespmem:s31+$0x2310] =	vst v57  }
0xf7: {  	v63 =	vld [tilespmem:s30+$0x370];
	[tilespmem:s31+$0x2320] =	vst v58  }
0xf8: {  	v17 =	vld [tilespmem:s30+$0xB10];
	[tilespmem:s31+$0x2330] =	vst v59  }
0xf9: {  	v18 =	vld [tilespmem:s30+$0xB20];
	[tilespmem:s31+$0x2340] =	vst v60  }
0xfa: {  	v19 =	vld [tilespmem:s30+$0xB30];
	[tilespmem:s31+$0x2350] =	vst v61  }
0xfb: {  	v20 =	vld [tilespmem:s30+$0xB40];
	[tilespmem:s31+$0x2360] =	vst v62  }
0xfc: {  	v21 =	vld [tilespmem:s30+$0xB50];
	[tilespmem:s31+$0x2370] =	vst v63  }
0xfd: {  	v22 =	vld [tilespmem:s30+$0xB60];
	[tilespmem:s31+$0x2B10] =	vst v17  }
0xfe: {  	v23 =	vld [tilespmem:s30+$0xB70];
	[tilespmem:s31+$0x2B20] =	vst v18  }
0xff: {  	v24 =	vld [tilespmem:s30+$0xF00];
	[tilespmem:s31+$0x2B30] =	vst v19  }
0x100: {  	v25 =	vld [tilespmem:s30+$0xF10];
	[tilespmem:s31+$0x2B40] =	vst v20  }
0x101: {  	v26 =	vld [tilespmem:s30+$0xF20];
	[tilespmem:s31+$0x2B50] =	vst v21  }
0x102: {  	v27 =	vld [tilespmem:s30+$0xF30];
	[tilespmem:s31+$0x2B60] =	vst v22  }
0x103: {  	v28 =	vld [tilespmem:s30+$0xF40];
	[tilespmem:s31+$0x2B70] =	vst v23  }
0x104: {  	v29 =	vld [tilespmem:s30+$0xF50];
	[tilespmem:s31+$0x2F00] =	vst v24  }
0x105: {  	v30 =	vld [tilespmem:s30+$0xF60];
	[tilespmem:s31+$0x2F10] =	vst v25  }
0x106: {  	v31 =	vld [tilespmem:s30+$0xF70];
	[tilespmem:s31+$0x2F20] =	vst v26  }
0x107: {  	v32 =	vld [tilespmem:s30+$0x380];
	[tilespmem:s31+$0x2F30] =	vst v27  }
0x108: {  	v33 =	vld [tilespmem:s30+$0x390];
	[tilespmem:s31+$0x2F40] =	vst v28  }
0x109: {  	v34 =	vld [tilespmem:s30+$0x3A0];
	[tilespmem:s31+$0x2F50] =	vst v29  }
0x10a: {  	v35 =	vld [tilespmem:s30+$0x3B0];
	[tilespmem:s31+$0x2F60] =	vst v30  }
0x10b: {  	v36 =	vld [tilespmem:s30+$0x3C0];
	[tilespmem:s31+$0x2F70] =	vst v31  }
0x10c: {  	v37 =	vld [tilespmem:s30+$0x3D0];
	[tilespmem:s31+$0x2380] =	vst v32  }
0x10d: {  	v38 =	vld [tilespmem:s30+$0x3E0];
	[tilespmem:s31+$0x2390] =	vst v33  }
0x10e: {  	v39 =	vld [tilespmem:s30+$0x3F0];
	[tilespmem:s31+$0x23A0] =	vst v34  }
0x10f: {  	v40 =	vld [tilespmem:s30+$0x780];
	[tilespmem:s31+$0x23B0] =	vst v35  }
0x110: {  	v41 =	vld [tilespmem:s30+$0x790];
	[tilespmem:s31+$0x23C0] =	vst v36  }
0x111: {  	v42 =	vld [tilespmem:s30+$0x7A0];
	[tilespmem:s31+$0x23D0] =	vst v37  }
0x112: {  	v43 =	vld [tilespmem:s30+$0x7B0];
	[tilespmem:s31+$0x23E0] =	vst v38  }
0x113: {  	v44 =	vld [tilespmem:s30+$0x7C0];
	[tilespmem:s31+$0x23F0] =	vst v39  }
0x114: {  	v45 =	vld [tilespmem:s30+$0x7D0];
	[tilespmem:s31+$0x2780] =	vst v40  }
0x115: {  	v46 =	vld [tilespmem:s30+$0x7E0];
	[tilespmem:s31+$0x2790] =	vst v41  }
0x116: {  	v47 =	vld [tilespmem:s30+$0x7F0];
	[tilespmem:s31+$0x27A0] =	vst v42  }
0x117: {  	v48 =	vld [tilespmem:s30+$0xB80];
	[tilespmem:s31+$0x27B0] =	vst v43  }
0x118: {  	v8 =	vld [tilespmem:s30+$0x700];
	[tilespmem:s31+$0x27C0] =	vst v44  }
0x119: {  	v9 =	vld [tilespmem:s30+$0x710];
	[tilespmem:s31+$0x27D0] =	vst v45  }
0x11a: {  	v10 =	vld [tilespmem:s30+$0x720];
	[tilespmem:s31+$0x27E0] =	vst v46  }
0x11b: {  	v11 =	vld [tilespmem:s30+$0x730];
	[tilespmem:s31+$0x27F0] =	vst v47  }
0x11c: {  	v12 =	vld [tilespmem:s30+$0x740];
	[tilespmem:s31+$0x2B80] =	vst v48  }
0x11d: {  	v13 =	vld [tilespmem:s30+$0x750];
	[tilespmem:s31+$0x2700] =	vst v8  }
0x11e: {  	v14 =	vld [tilespmem:s30+$0x760];
	[tilespmem:s31+$0x2710] =	vst v9  }
0x11f: {  	v15 =	vld [tilespmem:s30+$0x770];
	[tilespmem:s31+$0x2720] =	vst v10  }
0x120: {  	v16 =	vld [tilespmem:s30+$0xB00];
	[tilespmem:s31+$0x2730] =	vst v11  }
0x121: {  	v49 =	vld [tilespmem:s30+$0xB90];
	[tilespmem:s31+$0x2740] =	vst v12  }
0x122: {  	v50 =	vld [tilespmem:s30+$0xBA0];
	[tilespmem:s31+$0x2750] =	vst v13  }
0x123: {  	v51 =	vld [tilespmem:s30+$0xBB0];
	[tilespmem:s31+$0x2760] =	vst v14  }
0x124: {  	v52 =	vld [tilespmem:s30+$0xBC0];
	[tilespmem:s31+$0x2770] =	vst v15  }
0x125: {  	v53 =	vld [tilespmem:s30+$0xBD0];
	[tilespmem:s31+$0x2B00] =	vst v16  }
0x126: {  	v54 =	vld [tilespmem:s30+$0xBE0];
	[tilespmem:s31+$0x2B90] =	vst v49  }
0x127: {  	v55 =	vld [tilespmem:s30+$0xBF0];
	[tilespmem:s31+$0x2BA0] =	vst v50  }
0x128: {  	v56 =	vld [tilespmem:s30+$0xF80];
	[tilespmem:s31+$0x2BB0] =	vst v51  }
0x129: {  	v57 =	vld [tilespmem:s30+$0xF90];
	[tilespmem:s31+$0x2BC0] =	vst v52  }
0x12a: {  	v58 =	vld [tilespmem:s30+$0xFA0];
	[tilespmem:s31+$0x2BD0] =	vst v53  }
0x12b: {  	v59 =	vld [tilespmem:s30+$0xFB0];
	[tilespmem:s31+$0x2BE0] =	vst v54  }
0x12c: {  	v60 =	vld [tilespmem:s30+$0xFC0];
	[tilespmem:s31+$0x2BF0] =	vst v55  }
0x12d: {  	v61 =	vld [tilespmem:s30+$0xFD0];
	[tilespmem:s31+$0x2F80] =	vst v56  }
0x12e: {  	v62 =	vld [tilespmem:s30+$0xFE0];
	[tilespmem:s31+$0x2F90] =	vst v57  }
0x12f: {  	v63 =	vld [tilespmem:s30+$0xFF0];
	[tilespmem:s31+$0x2FA0] =	vst v58  }
0x130: {  	[tilespmem:s31+$0x2FB0] =	vst v59  }
0x131: {  	[tilespmem:s31+$0x2FC0] =	vst v60  }
0x132: {  	p2 =	seq.s32 s8, $0x1;
	[tilespmem:s31+$0x2FD0] =	vst v61  }
0x133: {  	s16 =	sadd.s32 s4, s16;
	p1 =	por p2, p1;
	[tilespmem:s31+$0x2FE0] =	vst v62  }
0x134: {  	s16 =	sshll.u32 @p1 s16, $0xF;
	s15 =	sshll.u32 @p1 s15, $0xC;
	[tilespmem:s31+$0x2FF0] =	vst v63  }
0x135: {  	s15 =	sadd.s32 @p1 s15, s16;
	s20 =	simm.s32 $0x1;
	_ =	strace $0x9000004B  }
0x136: {  	s15 =	sshrl.u32 @p1 s15, $0x3;
	s20 =	simm.s32 @!p0 $0x0;
	_ =	strace @p1 $0x8000004C  }
0x137: {  	p0 =	seq.s32 s8, $0x80;
	s17 =	sadd.s32 @p1 $0x3, s17;
	s18 =	rddreg [dreg:$0x3]  }
0x138: {  	s16 =	sor.u32 $0x2000, s31;
	s15 =	sadd.s32 @p1 s18, s15;
	s18 =	simm.s32 @p1 $0x0  }
0x139: {  	[hbm4b:s15+s18] =	stream.linear.scatter @p1 [tilespmem:s16], [sflag:s17], $0x1000, $0x200038;
	[tilespmem:$0x4000] =	vst v63  }
0x13a: {  	s15 =	simm.s32 $0x1;
	s17 =	simm.s32 $0x1;
	_ =	strace @p1 $0x9000004C  }
0x13b: {  	s15 =	simm.s32 @!p1 $0x0;
	p1 =	sne.s32 s8, $0x80;
	s8 =	sadd.s32 $0xFFFFFFFF, s8  }
0x13c: {  	s16 =	sand.u32 @!p0 $0x1, s9;
	s17 =	simm.s32 @!p1 $0x0;
	p1 =	sne.s32 s8, $0x0  }
.Ltmp0:
0x13d: {  	s16 =	sadd.s32 @!p0 $0x3, s16;
	_ =	strace @!p0 $0x8000004D;
	(pc) =	sbr.rel @p1 .LBB2_2-.Ltmp0, $4  }
0x13e: {  	_ =	swait.ge @!p0 [sflag:s16], $0x1000  }
0x13f: {  	[sflag:s16] =	ssyncset.done @!p0 $0x0  }
0x140: {  	s14 =	sadd.s32 s20, s14;
	s12 =	sadd.s32 s15, s12;
	[sflag:s16] =	ssyncadd.s32 @!p0 $0xFFFFF000  }
0x141: {  	s13 =	sadd.s32 s15, s13;
	s9 =	sadd.s32 s17, s9;
	_ =	strace @!p0 $0x9000004D  }
0x142: {  	s7 =	sadd.s32 $0x1, s7  }
0x143: {  	s8 =	sand.u32 $0x1, s9;
	p0 =	sne.s32 s7, s6  }
.Ltmp1:
0x144: {  	_ =	strace $0x8000004E;
	s8 =	sadd.s32 $0x3, s8;
	(pc) =	sbr.rel @p0 .LBB2_1-.Ltmp1, $4  }
0x145: {  	_ =	swait.ge [sflag:s8], $0x1000  }
0x146: {  	[sflag:s8] =	ssyncset.done $0x0  }
0x147: {  	[sflag:s8] =	ssyncadd.s32 $0xFFFFF000  }
0x148: {  	_ =	strace $0x9000004E  }
0x149: {  	_ =	sfence.sel $0x180000  }
0x14a: {  	[bflag:$0x0] =	sbarrier.arrive $0xFFFF  }
0x14b: {  	p0 =	sne.s32 s2, $0x0;
	_ =	strace $0x90000047  }
0x14c: {  	s0 =	sadd.s32 @!p0 $0x100000, s0;
	[bflag:$0x2] =	sbarrier.arrive $0xFFFF  }
0x14d: {  	[sflag:s0] =	ssyncadd.tile.s32 @!p0 $0x1;
	_ =	shalt  }
.Lfunc_end2:
_tile_overlayer_lowered:
.L_overlay_start_2:
0x14e: {  	(tag) =	ssettag $0x2  }
0x14f: {  	s0 =	rddreg [dreg:$0x0];
	s2 =	stileid.u32  }
0x150: {  	s1 =	rddreg [dreg:$0x1];
	p0 =	sne.s32 s2, $0x0  }
0x151: {  	s3 =	rddreg [dreg:$0x2];
	[bflag:$0x3] =	sbarrier.arrive $0xFFFF;
	s2 =	simm.s32 @!p0 $0x1C01  }
0x152: {  	[timem:s3], [sflag:s2] =	dma.local @!p0 [hbm:s0], s1  }
0x153: {  	s0 =	simm.s32 @!p0 $0x1  }
0x154: {  	_ =	swait.ge @!p0 [sflag:s0], s1  }
0x155: {  	s1 =	ssub.s32 @!p0 $0x0, s1;
	[sflag:s0] =	ssyncset.done @!p0 $0x0  }
0x156: {  	[sflag:s0] =	ssyncadd.s32 @!p0 s1  }
0x157: {  	[bflag:$0x3] =	sbarrier.arrive $0xFFFF  }
0x158: {  	_ =	shalt  }

</sc_bundles>
